<compile_context>
chip_gen: v7x
topology: tpu7x:2x2x1
jax: 0.10.2.dev20260603
libtpu: 0.0.44.dev20260713+nightly
codegen_flags: <defaults>
</compile_context>

<pallas_src>
import functools

import jax
import jax.numpy as jnp
from jax import lax
from jax.experimental import pallas as pl
from jax.experimental.pallas import tpu as pltpu
from jax.experimental.pallas import tpu_sc as plsc

RES_X = 1024
RES_Y = 1024
D_HALF = 256
L = 16
NC, NS = 2, 16
NW = NC * NS
B = 16 * 32 * 128
TPW = B // NW
RPW = 4 * TPW
CHUNK_ROWS = 64
NCHUNK = RPW // CHUNK_ROWS
NBUF = 8
LA = NBUF // 2

Y_OFF = RES_X + 8
ZERO_X = RES_X
ZERO_Y = Y_OFF + RES_Y

_mesh = plsc.VectorSubcoreMesh(core_axis_name="c", subcore_axis_name="s")


@functools.partial(
    pl.kernel,
    out_type=jax.ShapeDtypeStruct((4 * B, 128), jnp.float32),
    mesh=_mesh,
    scratch_types=[
        pltpu.VMEM((TPW // 128, 128), jnp.float32),
        pltpu.VMEM((TPW // 128, 128), jnp.float32),
        pltpu.VMEM((L,), jnp.float32),
        pltpu.VMEM((RPW,), jnp.int32),
        [pltpu.VMEM((CHUNK_ROWS, 128), jnp.float32)] * NBUF,
        pltpu.VMEM_SHARED((4 * 1032, 128), jnp.float32),
        [pltpu.SemaphoreType.DMA] * NBUF,
        [pltpu.SemaphoreType.DMA] * NBUF,
        pltpu.SemaphoreType.DMA,
    ],
)
def _pos_lookup(coord_hbm, size_hbm, table_hbm, out_hbm,
                cx_v, cy_v, size_v, idx_v, rows, table_sh, gsem, wsem, tsem):
    sid = lax.axis_index("s")
    wid = sid * NC + lax.axis_index("c")

    @pl.when(sid == 0)
    def _():
        pltpu.async_copy(table_hbm, table_sh, tsem)

    r0 = wid * 16
    pltpu.sync_copy(coord_hbm.at[0, pl.ds(r0, 16)], cx_v)
    pltpu.sync_copy(coord_hbm.at[1, pl.ds(r0, 16)], cy_v)
    pltpu.sync_copy(size_hbm, size_v)

    iota = lax.iota(jnp.int32, L)
    i8lo = iota & 7
    i8hi = i8lo + 8
    bitv = (iota >> 3) & 1
    hi_bit = bitv << 3
    zx_vec = jnp.full((L,), ZERO_X, jnp.int32)
    zy_vec = jnp.full((L,), ZERO_Y, jnp.int32)
    dnums = lax.GatherDimensionNumbers(
        offset_dims=(), collapsed_slice_dims=(0,), start_index_map=(0,))

    def perm(v, idx):
        return lax.gather(v, idx[:, None], dnums, (1,),
                          mode=lax.GatherScatterMode.PROMISE_IN_BOUNDS)

    sv = size_v[pl.ds(0, L)]
    sw_vec = perm(sv, jnp.ones((L,), jnp.int32))
    sh_vec = perm(sv, jnp.zeros((L,), jnp.int32))

    def phys(t):
        return ((t >> 3) << 4) + hi_bit + (t & 7)

    def compute_idx(c):
        rr = c >> 3
        m = c & 7
        xv = cx_v[rr, pl.ds(m * L, L)]
        yv = cy_v[rr, pl.ds(m * L, L)]
        msk = xv < 0.0
        rx = jnp.clip((jnp.float32(RES_X) * xv / sw_vec).astype(jnp.int32),
                      0, RES_X - 1)
        ry = jnp.clip((jnp.float32(RES_Y) * yv / sh_vec).astype(jnp.int32),
                      0, RES_Y - 1) + Y_OFF
        rx = jnp.where(msk, zx_vec, rx)
        ry = jnp.where(msk, zy_vec, ry)
        base = c * 4 * L
        idx_v[pl.ds(base, L)] = phys(perm(rx, i8lo))
        idx_v[pl.ds(base + L, L)] = phys(perm(ry, i8lo))
        idx_v[pl.ds(base + 2 * L, L)] = phys(perm(rx, i8hi))
        idx_v[pl.ds(base + 3 * L, L)] = phys(perm(ry, i8hi))

    def _prologue(c, _):
        compute_idx(c)
        return 0

    lax.fori_loop(0, LA, _prologue, 0)

    @pl.when(sid == 0)
    def _():
        pltpu.make_async_copy(table_hbm, table_sh, tsem).wait()

    plsc.subcore_barrier()

    obase = RPW * wid

    def idx_slice(k):
        return idx_v.at[pl.ds(k * CHUNK_ROWS, CHUNK_ROWS)]

    def out_slice(k):
        return out_hbm.at[pl.ds(obase + k * CHUNK_ROWS, CHUNK_ROWS)]

    def fire_gather(k, b):
        pltpu.async_copy(table_sh.at[idx_slice(k)], rows[b], gsem[b])

    def wait_gather(b):
        pltpu.make_async_copy(table_sh.at[idx_slice(0)], rows[b],
                              gsem[b]).wait()

    def wait_write(b):
        pltpu.make_async_copy(rows[b], out_slice(0), wsem[b]).wait()

    for b in range(LA):
        fire_gather(b, b)

    def ring_body(kk, _):
        for b in range(NBUF):
            k = kk * NBUF + b
            if b < LA:
                compute_idx(k + LA)
            else:
                @pl.when(kk + 1 < NCHUNK // NBUF)
                def _():
                    compute_idx(k + LA)

            wait_gather(b)
            pltpu.async_copy(rows[b], out_slice(k), wsem[b])
            bw = (b + LA) % NBUF
            if b < LA:
                @pl.when(kk >= 1)
                def _():
                    wait_write(bw)

                fire_gather(k + LA, bw)
            else:
                wait_write(bw)

                @pl.when(kk + 1 < NCHUNK // NBUF)
                def _():
                    fire_gather(k + LA, bw)
        return 0

    lax.fori_loop(0, NCHUNK // NBUF, ring_body, 0)
    for b in range(NBUF - LA, NBUF):
        wait_write(b)


def kernel(coordinate, size, x_embedding, y_embedding):
    coord_t = jnp.moveaxis(coordinate, 3, 0).reshape(2, B // 128, 128)
    z8 = jnp.zeros((8, D_HALF), jnp.float32)
    t = jnp.concatenate([x_embedding, z8, y_embedding, z8])
    table = t.reshape(258, 8, 2, 128).swapaxes(1, 2).reshape(4128, 128)
    sizes = jnp.broadcast_to(size, (L // 2, 2)).reshape(L)
    out = _pos_lookup(coord_t, sizes, table)
    out = out.reshape(16, 32, 16, 4, 8, 128).swapaxes(3, 4)
    return out.reshape(16, 32, 128, 2 * D_HALF)

# --- scband reference (transcript-rebuilt; emitter-appended) ---
"""Pipeline reference for scband-learned-positional-encoding-12163347382730 (READ-ONLY COPY).

The authoritative reference and input builder live on the scoring server;
editing this copy changes nothing except your own understanding.
"""

import jax, jax.numpy as jnp
import numpy as np

RES_X = 1024
RES_Y = 1024
D_HALF = 256  # d_model // 2


def setup_inputs(seed: int = 0) -> dict:
    key = jax.random.key(seed)
    k1, k2, k3 = jax.random.split(key, 3)
    # coordinates in [0, 1) paired with size == 1.0 keeps bucketized indices in [0, RES)
    coordinate = jax.random.uniform(k1, (16, 32, 128, 2), dtype=jnp.float32)
    size = jnp.ones((2,), dtype=jnp.float32)  # (H, W)
    # xavier_uniform init for the two positional tables
    limit = float(np.sqrt(6.0 / (RES_X + D_HALF)))
    x_embedding = jax.random.uniform(k2, (RES_X, D_HALF), minval=-limit, maxval=limit, dtype=jnp.float32)
    y_embedding = jax.random.uniform(k3, (RES_Y, D_HALF), minval=-limit, maxval=limit, dtype=jnp.float32)
    return {"coordinate": coordinate, "size": size, "x_embedding": x_embedding, "y_embedding": y_embedding}


def reference(coordinate, size, x_embedding, y_embedding):
    # coord_x = resolution[0] * coordinate[..., 0] / size[1]  (W)
    # coord_y = resolution[1] * coordinate[..., 1] / size[0]  (H)
    coord_x = (RES_X * coordinate[:, :, :, 0] / size[1]).astype(jnp.int32)
    coord_y = (RES_Y * coordinate[:, :, :, 1] / size[0]).astype(jnp.int32)
    pos = jnp.concatenate([jnp.take(x_embedding, coord_x, axis=0), jnp.take(y_embedding, coord_y, axis=0)], axis=-1)
    mask = coordinate[:, :, :, 0] < 0
    pos = jnp.where(mask[..., None], jnp.zeros_like(pos), pos)
    return pos

if __name__ == "__main__":
    import jax
    _d = setup_inputs()
    print(jax.jit(kernel)(*tuple(_d.values())))

</pallas_src>

<mosaic_0001>
#map = affine_map<(d0, d1) -> (0, 0, 0)>
#map1 = affine_map<(d0, d1) -> (0)>
#map2 = affine_map<(d0, d1) -> (0, 0)>
module attributes {stable_mosaic.version = 14 : i64} {
  func.func @_pos_lookup(%arg0: i32, %arg1: i32, %arg2: memref<2x512x128xf32, #tpu.memory_space<hbm>>, %arg3: memref<16xf32, #tpu.memory_space<hbm>>, %arg4: memref<4128x128xf32, #tpu.memory_space<hbm>>, %arg5: memref<262144x128xf32, #tpu.memory_space<hbm>>, %arg6: memref<16x128xf32, #tpu.memory_space<vmem>>, %arg7: memref<16x128xf32, #tpu.memory_space<vmem>>, %arg8: memref<16xf32, #tpu.memory_space<vmem>>, %arg9: memref<8192xi32, #tpu.memory_space<vmem>>, %arg10: memref<64x128xf32, #tpu.memory_space<vmem>>, %arg11: memref<64x128xf32, #tpu.memory_space<vmem>>, %arg12: memref<64x128xf32, #tpu.memory_space<vmem>>, %arg13: memref<64x128xf32, #tpu.memory_space<vmem>>, %arg14: memref<64x128xf32, #tpu.memory_space<vmem>>, %arg15: memref<64x128xf32, #tpu.memory_space<vmem>>, %arg16: memref<64x128xf32, #tpu.memory_space<vmem>>, %arg17: memref<64x128xf32, #tpu.memory_space<vmem>>, %arg18: memref<4128x128xf32, #tpu.memory_space<vmem_shared>>, %arg19: memref<!tpu.dma_semaphore, #tpu.memory_space<semaphore_mem>>, %arg20: memref<!tpu.dma_semaphore, #tpu.memory_space<semaphore_mem>>, %arg21: memref<!tpu.dma_semaphore, #tpu.memory_space<semaphore_mem>>, %arg22: memref<!tpu.dma_semaphore, #tpu.memory_space<semaphore_mem>>, %arg23: memref<!tpu.dma_semaphore, #tpu.memory_space<semaphore_mem>>, %arg24: memref<!tpu.dma_semaphore, #tpu.memory_space<semaphore_mem>>, %arg25: memref<!tpu.dma_semaphore, #tpu.memory_space<semaphore_mem>>, %arg26: memref<!tpu.dma_semaphore, #tpu.memory_space<semaphore_mem>>, %arg27: memref<!tpu.dma_semaphore, #tpu.memory_space<semaphore_mem>>, %arg28: memref<!tpu.dma_semaphore, #tpu.memory_space<semaphore_mem>>, %arg29: memref<!tpu.dma_semaphore, #tpu.memory_space<semaphore_mem>>, %arg30: memref<!tpu.dma_semaphore, #tpu.memory_space<semaphore_mem>>, %arg31: memref<!tpu.dma_semaphore, #tpu.memory_space<semaphore_mem>>, %arg32: memref<!tpu.dma_semaphore, #tpu.memory_space<semaphore_mem>>, %arg33: memref<!tpu.dma_semaphore, #tpu.memory_space<semaphore_mem>>, %arg34: memref<!tpu.dma_semaphore, #tpu.memory_space<semaphore_mem>>, %arg35: memref<!tpu.dma_semaphore, #tpu.memory_space<semaphore_mem>>) attributes {dimension_semantics = [#tpu.dimension_semantics<core_parallel>, #tpu.dimension_semantics<subcore_parallel>], iteration_bounds = array<i64: 2, 16>, scalar_prefetch = 0 : i64, scratch_operands = 30 : i64, tpu.core_type = #tpu.core_type<sc_vector_subcore>, window_params = [{transform_indices = #map}, {transform_indices = #map1}, {transform_indices = #map2}, {transform_indices = #map2}]} {
    %mul3A = arith.constant 2 : i32
    %mul3A_0 = arith.muli %arg1, %mul3A : i32
    %add3A = arith.addi %mul3A_0, %arg0 : i32
    %eq3A = arith.constant 0 : i32
    %eq3A_1 = arith.cmpi eq, %arg1, %eq3A : i32
    %convert_element_type3A = arith.extui %eq3A_1 : i1 to i32
    %cond3A = arith.constant 0 : i32
    %cond3A_2 = arith.cmpi ne, %convert_element_type3A, %cond3A : i32
    scf.if %cond3A_2 {
      tpu.enqueue_dma source(%arg4 : memref<4128x128xf32, #tpu.memory_space<hbm>>) target(%arg18 : memref<4128x128xf32, #tpu.memory_space<vmem_shared>>) target_semaphore(%arg35 : memref<!tpu.dma_semaphore, #tpu.memory_space<semaphore_mem>>)
    } else {
    }
    %mul3A_3 = arith.constant 16 : i32
    %mul3A_4 = arith.muli %add3A, %mul3A_3 : i32
    %run_scoped3A = arith.constant 0 : i32
    "tpu.region"() ({
      %run_scoped3A_94 = tpu.sem_alloc : memref<!tpu.dma_semaphore, #tpu.memory_space<semaphore_mem>>
      %dma_start3A_95 = arith.constant 0 : i32
      %dma_start3A_96 = tpu.memref_slice %arg2[%run_scoped3A, %mul3A_4, %dma_start3A_95] : memref<2x512x128xf32, #tpu.memory_space<hbm>> -> memref<1x16x128xf32, #tpu.memory_space<hbm>>
      %dma_start3A_97 = tpu.memref_squeeze %dma_start3A_96 : memref<1x16x128xf32, #tpu.memory_space<hbm>> -> memref<16x128xf32, #tpu.memory_space<hbm>>
      %dma_start3A_98 = arith.constant 0 : i32
      %dma_start3A_99 = tpu.memref_slice %arg2[%run_scoped3A, %mul3A_4, %dma_start3A_98] : memref<2x512x128xf32, #tpu.memory_space<hbm>> -> memref<1x16x128xf32, #tpu.memory_space<hbm>>
      %dma_start3A_100 = tpu.memref_squeeze %dma_start3A_99 : memref<1x16x128xf32, #tpu.memory_space<hbm>> -> memref<16x128xf32, #tpu.memory_space<hbm>>
      tpu.enqueue_dma source(%dma_start3A_100 : memref<16x128xf32, #tpu.memory_space<hbm>>) target(%arg6 : memref<16x128xf32, #tpu.memory_space<vmem>>) target_semaphore(%run_scoped3A_94 : memref<!tpu.dma_semaphore, #tpu.memory_space<semaphore_mem>>)
      %dma_wait3A_101 = arith.constant 0 : i32
      %dma_wait3A_102 = tpu.memref_slice %arg2[%run_scoped3A, %mul3A_4, %dma_wait3A_101] : memref<2x512x128xf32, #tpu.memory_space<hbm>> -> memref<1x16x128xf32, #tpu.memory_space<hbm>>
      %dma_wait3A_103 = tpu.memref_squeeze %dma_wait3A_102 : memref<1x16x128xf32, #tpu.memory_space<hbm>> -> memref<16x128xf32, #tpu.memory_space<hbm>>
      %dma_wait3A_104 = arith.constant 0 : i32
      %dma_wait3A_105 = tpu.memref_slice %arg2[%run_scoped3A, %mul3A_4, %dma_wait3A_104] : memref<2x512x128xf32, #tpu.memory_space<hbm>> -> memref<1x16x128xf32, #tpu.memory_space<hbm>>
      %dma_wait3A_106 = tpu.memref_squeeze %dma_wait3A_105 : memref<1x16x128xf32, #tpu.memory_space<hbm>> -> memref<16x128xf32, #tpu.memory_space<hbm>>
      tpu.wait_dma2 semaphore(%run_scoped3A_94 : memref<!tpu.dma_semaphore, #tpu.memory_space<semaphore_mem>>) src(%dma_wait3A_106 : memref<16x128xf32, #tpu.memory_space<hbm>>) dst(%arg6 : memref<16x128xf32, #tpu.memory_space<vmem>>)
      tpu.yield
    }) : () -> ()
    %run_scoped3A_5 = arith.constant 1 : i32
    "tpu.region"() ({
      %run_scoped3A_94 = tpu.sem_alloc : memref<!tpu.dma_semaphore, #tpu.memory_space<semaphore_mem>>
      %dma_start3A_95 = arith.constant 0 : i32
      %dma_start3A_96 = tpu.memref_slice %arg2[%run_scoped3A_5, %mul3A_4, %dma_start3A_95] : memref<2x512x128xf32, #tpu.memory_space<hbm>> -> memref<1x16x128xf32, #tpu.memory_space<hbm>>
      %dma_start3A_97 = tpu.memref_squeeze %dma_start3A_96 : memref<1x16x128xf32, #tpu.memory_space<hbm>> -> memref<16x128xf32, #tpu.memory_space<hbm>>
      %dma_start3A_98 = arith.constant 0 : i32
      %dma_start3A_99 = tpu.memref_slice %arg2[%run_scoped3A_5, %mul3A_4, %dma_start3A_98] : memref<2x512x128xf32, #tpu.memory_space<hbm>> -> memref<1x16x128xf32, #tpu.memory_space<hbm>>
      %dma_start3A_100 = tpu.memref_squeeze %dma_start3A_99 : memref<1x16x128xf32, #tpu.memory_space<hbm>> -> memref<16x128xf32, #tpu.memory_space<hbm>>
      tpu.enqueue_dma source(%dma_start3A_100 : memref<16x128xf32, #tpu.memory_space<hbm>>) target(%arg7 : memref<16x128xf32, #tpu.memory_space<vmem>>) target_semaphore(%run_scoped3A_94 : memref<!tpu.dma_semaphore, #tpu.memory_space<semaphore_mem>>)
      %dma_wait3A_101 = arith.constant 0 : i32
      %dma_wait3A_102 = tpu.memref_slice %arg2[%run_scoped3A_5, %mul3A_4, %dma_wait3A_101] : memref<2x512x128xf32, #tpu.memory_space<hbm>> -> memref<1x16x128xf32, #tpu.memory_space<hbm>>
      %dma_wait3A_103 = tpu.memref_squeeze %dma_wait3A_102 : memref<1x16x128xf32, #tpu.memory_space<hbm>> -> memref<16x128xf32, #tpu.memory_space<hbm>>
      %dma_wait3A_104 = arith.constant 0 : i32
      %dma_wait3A_105 = tpu.memref_slice %arg2[%run_scoped3A_5, %mul3A_4, %dma_wait3A_104] : memref<2x512x128xf32, #tpu.memory_space<hbm>> -> memref<1x16x128xf32, #tpu.memory_space<hbm>>
      %dma_wait3A_106 = tpu.memref_squeeze %dma_wait3A_105 : memref<1x16x128xf32, #tpu.memory_space<hbm>> -> memref<16x128xf32, #tpu.memory_space<hbm>>
      tpu.wait_dma2 semaphore(%run_scoped3A_94 : memref<!tpu.dma_semaphore, #tpu.memory_space<semaphore_mem>>) src(%dma_wait3A_106 : memref<16x128xf32, #tpu.memory_space<hbm>>) dst(%arg7 : memref<16x128xf32, #tpu.memory_space<vmem>>)
      tpu.yield
    }) : () -> ()
    "tpu.region"() ({
      %run_scoped3A_94 = tpu.sem_alloc : memref<!tpu.dma_semaphore, #tpu.memory_space<semaphore_mem>>
      tpu.enqueue_dma source(%arg3 : memref<16xf32, #tpu.memory_space<hbm>>) target(%arg8 : memref<16xf32, #tpu.memory_space<vmem>>) target_semaphore(%run_scoped3A_94 : memref<!tpu.dma_semaphore, #tpu.memory_space<semaphore_mem>>)
      tpu.wait_dma2 semaphore(%run_scoped3A_94 : memref<!tpu.dma_semaphore, #tpu.memory_space<semaphore_mem>>) src(%arg3 : memref<16xf32, #tpu.memory_space<hbm>>) dst(%arg8 : memref<16xf32, #tpu.memory_space<vmem>>)
      tpu.yield
    }) : () -> ()
    %iota3A = tpu.iota {dimensions = array<i32: 0>} : vector<16xi32>
    %and3A = arith.constant 7 : i32
    %and3A_6 = vector.broadcast %and3A : i32 to vector<16xi32>
    %and3A_7 = arith.andi %iota3A, %and3A_6 : vector<16xi32>
    %add3A_8 = arith.constant 8 : i32
    %add3A_9 = vector.broadcast %add3A_8 : i32 to vector<16xi32>
    %add3A_10 = arith.addi %and3A_7, %add3A_9 : vector<16xi32>
    %shift_right_arithmetic3A = arith.constant 3 : i32
    %shift_right_arithmetic3A_11 = vector.broadcast %shift_right_arithmetic3A : i32 to vector<16xi32>
    %shift_right_arithmetic3A_12 = arith.shrsi %iota3A, %shift_right_arithmetic3A_11 : vector<16xi32>
    %and3A_13 = arith.constant 1 : i32
    %and3A_14 = vector.broadcast %and3A_13 : i32 to vector<16xi32>
    %and3A_15 = arith.andi %shift_right_arithmetic3A_12, %and3A_14 : vector<16xi32>
    %shift_left3A = arith.constant 3 : i32
    %shift_left3A_16 = vector.broadcast %shift_left3A : i32 to vector<16xi32>
    %shift_left3A_17 = arith.shli %and3A_15, %shift_left3A_16 : vector<16xi32>
    %broadcast_in_dim3A = arith.constant 1024 : i32
    %broadcast_in_dim3A_18 = vector.broadcast %broadcast_in_dim3A : i32 to vector<16xi32>
    %broadcast_in_dim3A_19 = arith.constant 2056 : i32
    %broadcast_in_dim3A_20 = vector.broadcast %broadcast_in_dim3A_19 : i32 to vector<16xi32>
    %get3A = arith.constant 0 : index
    %get3A_21 = tpu.vector_load %arg8[%get3A] {strides = array<i32>} : memref<16xf32, #tpu.memory_space<vmem>>, vector<16xf32>,
    %get3A_22 = vector.shape_cast %get3A_21 : vector<16xf32> to vector<16xf32>
    %broadcast_in_dim3A_23 = arith.constant 1 : i32
    %broadcast_in_dim3A_24 = vector.broadcast %broadcast_in_dim3A_23 : i32 to vector<16xi32>
    %broadcast_in_dim3A_25 = vector.shape_cast %broadcast_in_dim3A_24 : vector<16xi32> to vector<16x1xi32>
    %gather3A = vector.shape_cast %broadcast_in_dim3A_25 : vector<16x1xi32> to vector<16xi32>
    %gather3A_26 = tpu.dynamic_gather %get3A_22[%gather3A] in [0] : vector<16xf32>, vector<16xi32> -> vector<16xf32>
    %broadcast_in_dim3A_27 = arith.constant 0 : i32
    %broadcast_in_dim3A_28 = vector.broadcast %broadcast_in_dim3A_27 : i32 to vector<16xi32>
    %broadcast_in_dim3A_29 = vector.shape_cast %broadcast_in_dim3A_28 : vector<16xi32> to vector<16x1xi32>
    %gather3A_30 = vector.shape_cast %broadcast_in_dim3A_29 : vector<16x1xi32> to vector<16xi32>
    %gather3A_31 = tpu.dynamic_gather %get3A_22[%gather3A_30] in [0] : vector<16xf32>, vector<16xi32> -> vector<16xf32>
    %scan3A = arith.constant 0 : i32
    %scan3A_32 = arith.constant 0 : i32
    %scan3A_33 = arith.constant 4 : i32
    %scan3A_34 = arith.addi %scan3A_32, %scan3A_33 : i32
    %scan3A_35 = arith.constant 1 : i32
    %scan3A_36 = scf.for %scan3A_94 = %scan3A_32 to %scan3A_34 step %scan3A_35 iter_args(%scan3A_95 = %scan3A) -> (i32)  : i32 {
      %shift_right_arithmetic3A_96 = arith.constant 3 : i32
      %shift_right_arithmetic3A_97 = arith.shrsi %scan3A_94, %shift_right_arithmetic3A_96 : i32
      %and3A_98 = arith.constant 7 : i32
      %and3A_99 = arith.andi %scan3A_94, %and3A_98 : i32
      %mul3A_100 = arith.constant 16 : i32
      %mul3A_101 = arith.muli %and3A_99, %mul3A_100 : i32
      %get3A_102 = arith.index_cast %shift_right_arithmetic3A_97 : i32 to index
      %get3A_103 = arith.index_cast %mul3A_101 : i32 to index
      %get3A_104 = tpu.vector_load %arg6[%get3A_102, %get3A_103] {strides = array<i32>} : memref<16x128xf32, #tpu.memory_space<vmem>>, vector<1x16xf32>,
      %get3A_105 = vector.shape_cast %get3A_104 : vector<1x16xf32> to vector<16xf32>
      %mul3A_106 = arith.constant 16 : i32
      %mul3A_107 = arith.muli %and3A_99, %mul3A_106 : i32
      %get3A_108 = arith.index_cast %shift_right_arithmetic3A_97 : i32 to index
      %get3A_109 = arith.index_cast %mul3A_107 : i32 to index
      %get3A_110 = tpu.vector_load %arg7[%get3A_108, %get3A_109] {strides = array<i32>} : memref<16x128xf32, #tpu.memory_space<vmem>>, vector<1x16xf32>,
      %get3A_111 = vector.shape_cast %get3A_110 : vector<1x16xf32> to vector<16xf32>
      %lt3A = arith.constant 0.000000e+00 : f32
      %lt3A_112 = vector.broadcast %lt3A : f32 to vector<16xf32>
      %lt3A_113 = arith.cmpf olt, %get3A_105, %lt3A_112 : vector<16xf32>
      %mul3A_114 = arith.constant 1.024000e+03 : f32
      %mul3A_115 = vector.broadcast %mul3A_114 : f32 to vector<16xf32>
      %mul3A_116 = arith.mulf %mul3A_115, %get3A_105 : vector<16xf32>
      %div3A = arith.divf %mul3A_116, %gather3A_26 : vector<16xf32>
      %convert_element_type3A_117 = arith.fptosi %div3A : vector<16xf32> to vector<16xi32>
      %jit3A = arith.constant 0 : i32
      %jit3A_118 = arith.constant 1023 : i32
      %max3A = vector.broadcast %jit3A : i32 to vector<16xi32>
      %max3A_119 = arith.maxsi %max3A, %convert_element_type3A_117 : vector<16xi32>
      %min3A = vector.broadcast %jit3A_118 : i32 to vector<16xi32>
      %min3A_120 = arith.minsi %min3A, %max3A_119 : vector<16xi32>
      %mul3A_121 = arith.constant 1.024000e+03 : f32
      %mul3A_122 = vector.broadcast %mul3A_121 : f32 to vector<16xf32>
      %mul3A_123 = arith.mulf %mul3A_122, %get3A_111 : vector<16xf32>
      %div3A_124 = arith.divf %mul3A_123, %gather3A_31 : vector<16xf32>
      %convert_element_type3A_125 = arith.fptosi %div3A_124 : vector<16xf32> to vector<16xi32>
      %jit3A_126 = arith.constant 0 : i32
      %jit3A_127 = arith.constant 1023 : i32
      %max3A_128 = vector.broadcast %jit3A_126 : i32 to vector<16xi32>
      %max3A_129 = arith.maxsi %max3A_128, %convert_element_type3A_125 : vector<16xi32>
      %min3A_130 = vector.broadcast %jit3A_127 : i32 to vector<16xi32>
      %min3A_131 = arith.minsi %min3A_130, %max3A_129 : vector<16xi32>
      %add3A_132 = arith.constant 1032 : i32
      %add3A_133 = vector.broadcast %add3A_132 : i32 to vector<16xi32>
      %add3A_134 = arith.addi %min3A_131, %add3A_133 : vector<16xi32>
      %select_n3A = arith.select %lt3A_113, %broadcast_in_dim3A_18, %min3A_120 : vector<16xi1>, vector<16xi32>
      %select_n3A_135 = arith.select %lt3A_113, %broadcast_in_dim3A_20, %add3A_134 : vector<16xi1>, vector<16xi32>
      %mul3A_136 = arith.constant 4 : i32
      %mul3A_137 = arith.muli %scan3A_94, %mul3A_136 : i32
      %mul3A_138 = arith.constant 16 : i32
      %mul3A_139 = arith.muli %mul3A_137, %mul3A_138 : i32
      %broadcast_in_dim3A_140 = vector.shape_cast %and3A_7 : vector<16xi32> to vector<16x1xi32>
      %gather3A_141 = vector.shape_cast %broadcast_in_dim3A_140 : vector<16x1xi32> to vector<16xi32>
      %gather3A_142 = tpu.dynamic_gather %select_n3A[%gather3A_141] in [0] : vector<16xi32>, vector<16xi32> -> vector<16xi32>
      %shift_right_arithmetic3A_143 = arith.constant 3 : i32
      %shift_right_arithmetic3A_144 = vector.broadcast %shift_right_arithmetic3A_143 : i32 to vector<16xi32>
      %shift_right_arithmetic3A_145 = arith.shrsi %gather3A_142, %shift_right_arithmetic3A_144 : vector<16xi32>
      %shift_left3A_146 = arith.constant 4 : i32
      %shift_left3A_147 = vector.broadcast %shift_left3A_146 : i32 to vector<16xi32>
      %shift_left3A_148 = arith.shli %shift_right_arithmetic3A_145, %shift_left3A_147 : vector<16xi32>
      %add3A_149 = arith.addi %shift_left3A_148, %shift_left3A_17 : vector<16xi32>
      %and3A_150 = arith.constant 7 : i32
      %and3A_151 = vector.broadcast %and3A_150 : i32 to vector<16xi32>
      %and3A_152 = arith.andi %gather3A_142, %and3A_151 : vector<16xi32>
      %add3A_153 = arith.addi %add3A_149, %and3A_152 : vector<16xi32>
      %swap3A = arith.index_cast %mul3A_139 : i32 to index
      %swap3A_154 = tpu.vector_load %arg9[%swap3A] {strides = array<i32>} : memref<8192xi32, #tpu.memory_space<vmem>>, vector<16xi32>,
      %swap3A_155 = vector.shape_cast %swap3A_154 : vector<16xi32> to vector<16xi32>
      %swap3A_156 = vector.shape_cast %add3A_153 : vector<16xi32> to vector<16xi32>
      tpu.vector_store %arg9[%swap3A], %swap3A_156 {strides = array<i32>} : memref<8192xi32, #tpu.memory_space<vmem>>, vector<16xi32>,
      %broadcast_in_dim3A_157 = vector.shape_cast %and3A_7 : vector<16xi32> to vector<16x1xi32>
      %gather3A_158 = vector.shape_cast %broadcast_in_dim3A_157 : vector<16x1xi32> to vector<16xi32>
      %gather3A_159 = tpu.dynamic_gather %select_n3A_135[%gather3A_158] in [0] : vector<16xi32>, vector<16xi32> -> vector<16xi32>
      %shift_right_arithmetic3A_160 = arith.constant 3 : i32
      %shift_right_arithmetic3A_161 = vector.broadcast %shift_right_arithmetic3A_160 : i32 to vector<16xi32>
      %shift_right_arithmetic3A_162 = arith.shrsi %gather3A_159, %shift_right_arithmetic3A_161 : vector<16xi32>
      %shift_left3A_163 = arith.constant 4 : i32
      %shift_left3A_164 = vector.broadcast %shift_left3A_163 : i32 to vector<16xi32>
      %shift_left3A_165 = arith.shli %shift_right_arithmetic3A_162, %shift_left3A_164 : vector<16xi32>
      %add3A_166 = arith.addi %shift_left3A_165, %shift_left3A_17 : vector<16xi32>
      %and3A_167 = arith.constant 7 : i32
      %and3A_168 = vector.broadcast %and3A_167 : i32 to vector<16xi32>
      %and3A_169 = arith.andi %gather3A_159, %and3A_168 : vector<16xi32>
      %add3A_170 = arith.addi %add3A_166, %and3A_169 : vector<16xi32>
      %add3A_171 = arith.constant 16 : i32
      %add3A_172 = arith.addi %mul3A_139, %add3A_171 : i32
      %swap3A_173 = arith.index_cast %add3A_172 : i32 to index
      %swap3A_174 = tpu.vector_load %arg9[%swap3A_173] {strides = array<i32>} : memref<8192xi32, #tpu.memory_space<vmem>>, vector<16xi32>,
      %swap3A_175 = vector.shape_cast %swap3A_174 : vector<16xi32> to vector<16xi32>
      %swap3A_176 = vector.shape_cast %add3A_170 : vector<16xi32> to vector<16xi32>
      tpu.vector_store %arg9[%swap3A_173], %swap3A_176 {strides = array<i32>} : memref<8192xi32, #tpu.memory_space<vmem>>, vector<16xi32>,
      %broadcast_in_dim3A_177 = vector.shape_cast %add3A_10 : vector<16xi32> to vector<16x1xi32>
      %gather3A_178 = vector.shape_cast %broadcast_in_dim3A_177 : vector<16x1xi32> to vector<16xi32>
      %gather3A_179 = tpu.dynamic_gather %select_n3A[%gather3A_178] in [0] : vector<16xi32>, vector<16xi32> -> vector<16xi32>
      %shift_right_arithmetic3A_180 = arith.constant 3 : i32
      %shift_right_arithmetic3A_181 = vector.broadcast %shift_right_arithmetic3A_180 : i32 to vector<16xi32>
      %shift_right_arithmetic3A_182 = arith.shrsi %gather3A_179, %shift_right_arithmetic3A_181 : vector<16xi32>
      %shift_left3A_183 = arith.constant 4 : i32
      %shift_left3A_184 = vector.broadcast %shift_left3A_183 : i32 to vector<16xi32>
      %shift_left3A_185 = arith.shli %shift_right_arithmetic3A_182, %shift_left3A_184 : vector<16xi32>
      %add3A_186 = arith.addi %shift_left3A_185, %shift_left3A_17 : vector<16xi32>
      %and3A_187 = arith.constant 7 : i32
      %and3A_188 = vector.broadcast %and3A_187 : i32 to vector<16xi32>
      %and3A_189 = arith.andi %gather3A_179, %and3A_188 : vector<16xi32>
      %add3A_190 = arith.addi %add3A_186, %and3A_189 : vector<16xi32>
      %add3A_191 = arith.constant 32 : i32
      %add3A_192 = arith.addi %mul3A_139, %add3A_191 : i32
      %swap3A_193 = arith.index_cast %add3A_192 : i32 to index
      %swap3A_194 = tpu.vector_load %arg9[%swap3A_193] {strides = array<i32>} : memref<8192xi32, #tpu.memory_space<vmem>>, vector<16xi32>,
      %swap3A_195 = vector.shape_cast %swap3A_194 : vector<16xi32> to vector<16xi32>
      %swap3A_196 = vector.shape_cast %add3A_190 : vector<16xi32> to vector<16xi32>
      tpu.vector_store %arg9[%swap3A_193], %swap3A_196 {strides = array<i32>} : memref<8192xi32, #tpu.memory_space<vmem>>, vector<16xi32>,
      %broadcast_in_dim3A_197 = vector.shape_cast %add3A_10 : vector<16xi32> to vector<16x1xi32>
      %gather3A_198 = vector.shape_cast %broadcast_in_dim3A_197 : vector<16x1xi32> to vector<16xi32>
      %gather3A_199 = tpu.dynamic_gather %select_n3A_135[%gather3A_198] in [0] : vector<16xi32>, vector<16xi32> -> vector<16xi32>
      %shift_right_arithmetic3A_200 = arith.constant 3 : i32
      %shift_right_arithmetic3A_201 = vector.broadcast %shift_right_arithmetic3A_200 : i32 to vector<16xi32>
      %shift_right_arithmetic3A_202 = arith.shrsi %gather3A_199, %shift_right_arithmetic3A_201 : vector<16xi32>
      %shift_left3A_203 = arith.constant 4 : i32
      %shift_left3A_204 = vector.broadcast %shift_left3A_203 : i32 to vector<16xi32>
      %shift_left3A_205 = arith.shli %shift_right_arithmetic3A_202, %shift_left3A_204 : vector<16xi32>
      %add3A_206 = arith.addi %shift_left3A_205, %shift_left3A_17 : vector<16xi32>
      %and3A_207 = arith.constant 7 : i32
      %and3A_208 = vector.broadcast %and3A_207 : i32 to vector<16xi32>
      %and3A_209 = arith.andi %gather3A_199, %and3A_208 : vector<16xi32>
      %add3A_210 = arith.addi %add3A_206, %and3A_209 : vector<16xi32>
      %add3A_211 = arith.constant 48 : i32
      %add3A_212 = arith.addi %mul3A_139, %add3A_211 : i32
      %swap3A_213 = arith.index_cast %add3A_212 : i32 to index
      %swap3A_214 = tpu.vector_load %arg9[%swap3A_213] {strides = array<i32>} : memref<8192xi32, #tpu.memory_space<vmem>>, vector<16xi32>,
      %swap3A_215 = vector.shape_cast %swap3A_214 : vector<16xi32> to vector<16xi32>
      %swap3A_216 = vector.shape_cast %add3A_210 : vector<16xi32> to vector<16xi32>
      tpu.vector_store %arg9[%swap3A_213], %swap3A_216 {strides = array<i32>} : memref<8192xi32, #tpu.memory_space<vmem>>, vector<16xi32>,
      %scan3A_217 = arith.constant 0 : i32
      scf.yield %scan3A_217 : i32
    }
    %scan3A_37 = arith.constant 4 : i32
    %eq3A_38 = arith.constant 0 : i32
    %eq3A_39 = arith.cmpi eq, %arg1, %eq3A_38 : i32
    %convert_element_type3A_40 = arith.extui %eq3A_39 : i1 to i32
    %cond3A_41 = arith.constant 0 : i32
    %cond3A_42 = arith.cmpi ne, %convert_element_type3A_40, %cond3A_41 : i32
    scf.if %cond3A_42 {
      tpu.wait_dma2 semaphore(%arg35 : memref<!tpu.dma_semaphore, #tpu.memory_space<semaphore_mem>>) src(%arg4 : memref<4128x128xf32, #tpu.memory_space<hbm>>) dst(%arg18 : memref<4128x128xf32, #tpu.memory_space<vmem_shared>>)
    } else {
    }
    %barrier3A = arith.constant 0 : index
    tpu.barrier barrier_id(%barrier3A)
    %mul3A_43 = arith.constant 8192 : i32
    %mul3A_44 = arith.muli %mul3A_43, %add3A : i32
    %dma_start3A = arith.constant 0 : i32
    %dma_start3A_45 = tpu.memref_slice %arg9[%dma_start3A] : memref<8192xi32, #tpu.memory_space<vmem>> -> memref<64xi32, #tpu.memory_space<vmem>>
    %dma_start3A_46 = arith.constant 0 : i32
    %dma_start3A_47 = arith.constant 0 : i32
    %dma_start3A_48 = tpu.memref_slice %arg18[%dma_start3A_46, %dma_start3A_47] : memref<4128x128xf32, #tpu.memory_space<vmem_shared>> -> memref<4128x128xf32, #tpu.memory_space<vmem_shared>>
    tpu.enqueue_indirect_dma source(%dma_start3A_48 : memref<4128x128xf32, #tpu.memory_space<vmem_shared>>) target(%arg10 : memref<64x128xf32, #tpu.memory_space<vmem>>) offsets(%dma_start3A_45 : memref<64xi32, #tpu.memory_space<vmem>>) semaphore(%arg19 : memref<!tpu.dma_semaphore, #tpu.memory_space<semaphore_mem>>)
    %dma_start3A_49 = arith.constant 64 : i32
    %dma_start3A_50 = tpu.memref_slice %arg9[%dma_start3A_49] : memref<8192xi32, #tpu.memory_space<vmem>> -> memref<64xi32, #tpu.memory_space<vmem>>
    %dma_start3A_51 = arith.constant 0 : i32
    %dma_start3A_52 = arith.constant 0 : i32
    %dma_start3A_53 = tpu.memref_slice %arg18[%dma_start3A_51, %dma_start3A_52] : memref<4128x128xf32, #tpu.memory_space<vmem_shared>> -> memref<4128x128xf32, #tpu.memory_space<vmem_shared>>
    tpu.enqueue_indirect_dma source(%dma_start3A_53 : memref<4128x128xf32, #tpu.memory_space<vmem_shared>>) target(%arg11 : memref<64x128xf32, #tpu.memory_space<vmem>>) offsets(%dma_start3A_50 : memref<64xi32, #tpu.memory_space<vmem>>) semaphore(%arg20 : memref<!tpu.dma_semaphore, #tpu.memory_space<semaphore_mem>>)
    %dma_start3A_54 = arith.constant 128 : i32
    %dma_start3A_55 = tpu.memref_slice %arg9[%dma_start3A_54] : memref<8192xi32, #tpu.memory_space<vmem>> -> memref<64xi32, #tpu.memory_space<vmem>>
    %dma_start3A_56 = arith.constant 0 : i32
    %dma_start3A_57 = arith.constant 0 : i32
    %dma_start3A_58 = tpu.memref_slice %arg18[%dma_start3A_56, %dma_start3A_57] : memref<4128x128xf32, #tpu.memory_space<vmem_shared>> -> memref<4128x128xf32, #tpu.memory_space<vmem_shared>>
    tpu.enqueue_indirect_dma source(%dma_start3A_58 : memref<4128x128xf32, #tpu.memory_space<vmem_shared>>) target(%arg12 : memref<64x128xf32, #tpu.memory_space<vmem>>) offsets(%dma_start3A_55 : memref<64xi32, #tpu.memory_space<vmem>>) semaphore(%arg21 : memref<!tpu.dma_semaphore, #tpu.memory_space<semaphore_mem>>)
    %dma_start3A_59 = arith.constant 192 : i32
    %dma_start3A_60 = tpu.memref_slice %arg9[%dma_start3A_59] : memref<8192xi32, #tpu.memory_space<vmem>> -> memref<64xi32, #tpu.memory_space<vmem>>
    %dma_start3A_61 = arith.constant 0 : i32
    %dma_start3A_62 = arith.constant 0 : i32
    %dma_start3A_63 = tpu.memref_slice %arg18[%dma_start3A_61, %dma_start3A_62] : memref<4128x128xf32, #tpu.memory_space<vmem_shared>> -> memref<4128x128xf32, #tpu.memory_space<vmem_shared>>
    tpu.enqueue_indirect_dma source(%dma_start3A_63 : memref<4128x128xf32, #tpu.memory_space<vmem_shared>>) target(%arg13 : memref<64x128xf32, #tpu.memory_space<vmem>>) offsets(%dma_start3A_60 : memref<64xi32, #tpu.memory_space<vmem>>) semaphore(%arg22 : memref<!tpu.dma_semaphore, #tpu.memory_space<semaphore_mem>>)
    %scan3A_64 = arith.constant 0 : i32
    %scan3A_65 = arith.constant 0 : i32
    %scan3A_66 = arith.constant 16 : i32
    %scan3A_67 = arith.addi %scan3A_65, %scan3A_66 : i32
    %scan3A_68 = arith.constant 1 : i32
    %scan3A_69 = scf.for %scan3A_94 = %scan3A_65 to %scan3A_67 step %scan3A_68 iter_args(%scan3A_95 = %scan3A_64) -> (i32)  : i32 {
      %mul3A_96 = arith.constant 8 : i32
      %mul3A_97 = arith.muli %scan3A_94, %mul3A_96 : i32
      %add3A_98 = arith.constant 0 : i32
      %add3A_99 = arith.addi %mul3A_97, %add3A_98 : i32
      %add3A_100 = arith.constant 4 : i32
      %add3A_101 = arith.addi %add3A_99, %add3A_100 : i32
      %shift_right_arithmetic3A_102 = arith.constant 3 : i32
      %shift_right_arithmetic3A_103 = arith.shrsi %add3A_101, %shift_right_arithmetic3A_102 : i32
      %and3A_104 = arith.constant 7 : i32
      %and3A_105 = arith.andi %add3A_101, %and3A_104 : i32
      %mul3A_106 = arith.constant 16 : i32
      %mul3A_107 = arith.muli %and3A_105, %mul3A_106 : i32
      %get3A_108 = arith.index_cast %shift_right_arithmetic3A_103 : i32 to index
      %get3A_109 = arith.index_cast %mul3A_107 : i32 to index
      %get3A_110 = tpu.vector_load %arg6[%get3A_108, %get3A_109] {strides = array<i32>} : memref<16x128xf32, #tpu.memory_space<vmem>>, vector<1x16xf32>,
      %get3A_111 = vector.shape_cast %get3A_110 : vector<1x16xf32> to vector<16xf32>
      %mul3A_112 = arith.constant 16 : i32
      %mul3A_113 = arith.muli %and3A_105, %mul3A_112 : i32
      %get3A_114 = arith.index_cast %shift_right_arithmetic3A_103 : i32 to index
      %get3A_115 = arith.index_cast %mul3A_113 : i32 to index
      %get3A_116 = tpu.vector_load %arg7[%get3A_114, %get3A_115] {strides = array<i32>} : memref<16x128xf32, #tpu.memory_space<vmem>>, vector<1x16xf32>,
      %get3A_117 = vector.shape_cast %get3A_116 : vector<1x16xf32> to vector<16xf32>
      %lt3A = arith.constant 0.000000e+00 : f32
      %lt3A_118 = vector.broadcast %lt3A : f32 to vector<16xf32>
      %lt3A_119 = arith.cmpf olt, %get3A_111, %lt3A_118 : vector<16xf32>
      %mul3A_120 = arith.constant 1.024000e+03 : f32
      %mul3A_121 = vector.broadcast %mul3A_120 : f32 to vector<16xf32>
      %mul3A_122 = arith.mulf %mul3A_121, %get3A_111 : vector<16xf32>
      %div3A = arith.divf %mul3A_122, %gather3A_26 : vector<16xf32>
      %convert_element_type3A_123 = arith.fptosi %div3A : vector<16xf32> to vector<16xi32>
      %jit3A = arith.constant 0 : i32
      %jit3A_124 = arith.constant 1023 : i32
      %max3A = vector.broadcast %jit3A : i32 to vector<16xi32>
      %max3A_125 = arith.maxsi %max3A, %convert_element_type3A_123 : vector<16xi32>
      %min3A = vector.broadcast %jit3A_124 : i32 to vector<16xi32>
      %min3A_126 = arith.minsi %min3A, %max3A_125 : vector<16xi32>
      %mul3A_127 = arith.constant 1.024000e+03 : f32
      %mul3A_128 = vector.broadcast %mul3A_127 : f32 to vector<16xf32>
      %mul3A_129 = arith.mulf %mul3A_128, %get3A_117 : vector<16xf32>
      %div3A_130 = arith.divf %mul3A_129, %gather3A_31 : vector<16xf32>
      %convert_element_type3A_131 = arith.fptosi %div3A_130 : vector<16xf32> to vector<16xi32>
      %jit3A_132 = arith.constant 0 : i32
      %jit3A_133 = arith.constant 1023 : i32
      %max3A_134 = vector.broadcast %jit3A_132 : i32 to vector<16xi32>
      %max3A_135 = arith.maxsi %max3A_134, %convert_element_type3A_131 : vector<16xi32>
      %min3A_136 = vector.broadcast %jit3A_133 : i32 to vector<16xi32>
      %min3A_137 = arith.minsi %min3A_136, %max3A_135 : vector<16xi32>
      %add3A_138 = arith.constant 1032 : i32
      %add3A_139 = vector.broadcast %add3A_138 : i32 to vector<16xi32>
      %add3A_140 = arith.addi %min3A_137, %add3A_139 : vector<16xi32>
      %select_n3A = arith.select %lt3A_119, %broadcast_in_dim3A_18, %min3A_126 : vector<16xi1>, vector<16xi32>
      %select_n3A_141 = arith.select %lt3A_119, %broadcast_in_dim3A_20, %add3A_140 : vector<16xi1>, vector<16xi32>
      %mul3A_142 = arith.constant 4 : i32
      %mul3A_143 = arith.muli %add3A_101, %mul3A_142 : i32
      %mul3A_144 = arith.constant 16 : i32
      %mul3A_145 = arith.muli %mul3A_143, %mul3A_144 : i32
      %broadcast_in_dim3A_146 = vector.shape_cast %and3A_7 : vector<16xi32> to vector<16x1xi32>
      %gather3A_147 = vector.shape_cast %broadcast_in_dim3A_146 : vector<16x1xi32> to vector<16xi32>
      %gather3A_148 = tpu.dynamic_gather %select_n3A[%gather3A_147] in [0] : vector<16xi32>, vector<16xi32> -> vector<16xi32>
      %shift_right_arithmetic3A_149 = arith.constant 3 : i32
      %shift_right_arithmetic3A_150 = vector.broadcast %shift_right_arithmetic3A_149 : i32 to vector<16xi32>
      %shift_right_arithmetic3A_151 = arith.shrsi %gather3A_148, %shift_right_arithmetic3A_150 : vector<16xi32>
      %shift_left3A_152 = arith.constant 4 : i32
      %shift_left3A_153 = vector.broadcast %shift_left3A_152 : i32 to vector<16xi32>
      %shift_left3A_154 = arith.shli %shift_right_arithmetic3A_151, %shift_left3A_153 : vector<16xi32>
      %add3A_155 = arith.addi %shift_left3A_154, %shift_left3A_17 : vector<16xi32>
      %and3A_156 = arith.constant 7 : i32
      %and3A_157 = vector.broadcast %and3A_156 : i32 to vector<16xi32>
      %and3A_158 = arith.andi %gather3A_148, %and3A_157 : vector<16xi32>
      %add3A_159 = arith.addi %add3A_155, %and3A_158 : vector<16xi32>
      %swap3A = arith.index_cast %mul3A_145 : i32 to index
      %swap3A_160 = tpu.vector_load %arg9[%swap3A] {strides = array<i32>} : memref<8192xi32, #tpu.memory_space<vmem>>, vector<16xi32>,
      %swap3A_161 = vector.shape_cast %swap3A_160 : vector<16xi32> to vector<16xi32>
      %swap3A_162 = vector.shape_cast %add3A_159 : vector<16xi32> to vector<16xi32>
      tpu.vector_store %arg9[%swap3A], %swap3A_162 {strides = array<i32>} : memref<8192xi32, #tpu.memory_space<vmem>>, vector<16xi32>,
      %broadcast_in_dim3A_163 = vector.shape_cast %and3A_7 : vector<16xi32> to vector<16x1xi32>
      %gather3A_164 = vector.shape_cast %broadcast_in_dim3A_163 : vector<16x1xi32> to vector<16xi32>
      %gather3A_165 = tpu.dynamic_gather %select_n3A_141[%gather3A_164] in [0] : vector<16xi32>, vector<16xi32> -> vector<16xi32>
      %shift_right_arithmetic3A_166 = arith.constant 3 : i32
      %shift_right_arithmetic3A_167 = vector.broadcast %shift_right_arithmetic3A_166 : i32 to vector<16xi32>
      %shift_right_arithmetic3A_168 = arith.shrsi %gather3A_165, %shift_right_arithmetic3A_167 : vector<16xi32>
      %shift_left3A_169 = arith.constant 4 : i32
      %shift_left3A_170 = vector.broadcast %shift_left3A_169 : i32 to vector<16xi32>
      %shift_left3A_171 = arith.shli %shift_right_arithmetic3A_168, %shift_left3A_170 : vector<16xi32>
      %add3A_172 = arith.addi %shift_left3A_171, %shift_left3A_17 : vector<16xi32>
      %and3A_173 = arith.constant 7 : i32
      %and3A_174 = vector.broadcast %and3A_173 : i32 to vector<16xi32>
      %and3A_175 = arith.andi %gather3A_165, %and3A_174 : vector<16xi32>
      %add3A_176 = arith.addi %add3A_172, %and3A_175 : vector<16xi32>
      %add3A_177 = arith.constant 16 : i32
      %add3A_178 = arith.addi %mul3A_145, %add3A_177 : i32
      %swap3A_179 = arith.index_cast %add3A_178 : i32 to index
      %swap3A_180 = tpu.vector_load %arg9[%swap3A_179] {strides = array<i32>} : memref<8192xi32, #tpu.memory_space<vmem>>, vector<16xi32>,
      %swap3A_181 = vector.shape_cast %swap3A_180 : vector<16xi32> to vector<16xi32>
      %swap3A_182 = vector.shape_cast %add3A_176 : vector<16xi32> to vector<16xi32>
      tpu.vector_store %arg9[%swap3A_179], %swap3A_182 {strides = array<i32>} : memref<8192xi32, #tpu.memory_space<vmem>>, vector<16xi32>,
      %broadcast_in_dim3A_183 = vector.shape_cast %add3A_10 : vector<16xi32> to vector<16x1xi32>
      %gather3A_184 = vector.shape_cast %broadcast_in_dim3A_183 : vector<16x1xi32> to vector<16xi32>
      %gather3A_185 = tpu.dynamic_gather %select_n3A[%gather3A_184] in [0] : vector<16xi32>, vector<16xi32> -> vector<16xi32>
      %shift_right_arithmetic3A_186 = arith.constant 3 : i32
      %shift_right_arithmetic3A_187 = vector.broadcast %shift_right_arithmetic3A_186 : i32 to vector<16xi32>
      %shift_right_arithmetic3A_188 = arith.shrsi %gather3A_185, %shift_right_arithmetic3A_187 : vector<16xi32>
      %shift_left3A_189 = arith.constant 4 : i32
      %shift_left3A_190 = vector.broadcast %shift_left3A_189 : i32 to vector<16xi32>
      %shift_left3A_191 = arith.shli %shift_right_arithmetic3A_188, %shift_left3A_190 : vector<16xi32>
      %add3A_192 = arith.addi %shift_left3A_191, %shift_left3A_17 : vector<16xi32>
      %and3A_193 = arith.constant 7 : i32
      %and3A_194 = vector.broadcast %and3A_193 : i32 to vector<16xi32>
      %and3A_195 = arith.andi %gather3A_185, %and3A_194 : vector<16xi32>
      %add3A_196 = arith.addi %add3A_192, %and3A_195 : vector<16xi32>
      %add3A_197 = arith.constant 32 : i32
      %add3A_198 = arith.addi %mul3A_145, %add3A_197 : i32
      %swap3A_199 = arith.index_cast %add3A_198 : i32 to index
      %swap3A_200 = tpu.vector_load %arg9[%swap3A_199] {strides = array<i32>} : memref<8192xi32, #tpu.memory_space<vmem>>, vector<16xi32>,
      %swap3A_201 = vector.shape_cast %swap3A_200 : vector<16xi32> to vector<16xi32>
      %swap3A_202 = vector.shape_cast %add3A_196 : vector<16xi32> to vector<16xi32>
      tpu.vector_store %arg9[%swap3A_199], %swap3A_202 {strides = array<i32>} : memref<8192xi32, #tpu.memory_space<vmem>>, vector<16xi32>,
      %broadcast_in_dim3A_203 = vector.shape_cast %add3A_10 : vector<16xi32> to vector<16x1xi32>
      %gather3A_204 = vector.shape_cast %broadcast_in_dim3A_203 : vector<16x1xi32> to vector<16xi32>
      %gather3A_205 = tpu.dynamic_gather %select_n3A_141[%gather3A_204] in [0] : vector<16xi32>, vector<16xi32> -> vector<16xi32>
      %shift_right_arithmetic3A_206 = arith.constant 3 : i32
      %shift_right_arithmetic3A_207 = vector.broadcast %shift_right_arithmetic3A_206 : i32 to vector<16xi32>
      %shift_right_arithmetic3A_208 = arith.shrsi %gather3A_205, %shift_right_arithmetic3A_207 : vector<16xi32>
      %shift_left3A_209 = arith.constant 4 : i32
      %shift_left3A_210 = vector.broadcast %shift_left3A_209 : i32 to vector<16xi32>
      %shift_left3A_211 = arith.shli %shift_right_arithmetic3A_208, %shift_left3A_210 : vector<16xi32>
      %add3A_212 = arith.addi %shift_left3A_211, %shift_left3A_17 : vector<16xi32>
      %and3A_213 = arith.constant 7 : i32
      %and3A_214 = vector.broadcast %and3A_213 : i32 to vector<16xi32>
      %and3A_215 = arith.andi %gather3A_205, %and3A_214 : vector<16xi32>
      %add3A_216 = arith.addi %add3A_212, %and3A_215 : vector<16xi32>
      %add3A_217 = arith.constant 48 : i32
      %add3A_218 = arith.addi %mul3A_145, %add3A_217 : i32
      %swap3A_219 = arith.index_cast %add3A_218 : i32 to index
      %swap3A_220 = tpu.vector_load %arg9[%swap3A_219] {strides = array<i32>} : memref<8192xi32, #tpu.memory_space<vmem>>, vector<16xi32>,
      %swap3A_221 = vector.shape_cast %swap3A_220 : vector<16xi32> to vector<16xi32>
      %swap3A_222 = vector.shape_cast %add3A_216 : vector<16xi32> to vector<16xi32>
      tpu.vector_store %arg9[%swap3A_219], %swap3A_222 {strides = array<i32>} : memref<8192xi32, #tpu.memory_space<vmem>>, vector<16xi32>,
      %dma_wait3A_223 = arith.constant 0 : i32
      %dma_wait3A_224 = tpu.memref_slice %arg9[%dma_wait3A_223] : memref<8192xi32, #tpu.memory_space<vmem>> -> memref<64xi32, #tpu.memory_space<vmem>>
      %dma_wait3A_225 = arith.constant 0 : i32
      %dma_wait3A_226 = arith.constant 0 : i32
      %dma_wait3A_227 = tpu.memref_slice %arg18[%dma_wait3A_225, %dma_wait3A_226] : memref<4128x128xf32, #tpu.memory_space<vmem_shared>> -> memref<4128x128xf32, #tpu.memory_space<vmem_shared>>
      tpu.wait_indirect_dma semaphore(%arg19 : memref<!tpu.dma_semaphore, #tpu.memory_space<semaphore_mem>>) src(%dma_wait3A_227 : memref<4128x128xf32, #tpu.memory_space<vmem_shared>>) dst(%arg10 : memref<64x128xf32, #tpu.memory_space<vmem>>)
      %mul3A_228 = arith.constant 64 : i32
      %mul3A_229 = arith.muli %add3A_99, %mul3A_228 : i32
      %add3A_230 = arith.addi %mul3A_44, %mul3A_229 : i32
      %dma_start3A_231 = arith.constant 0 : i32
      %dma_start3A_232 = tpu.memref_slice %arg5[%add3A_230, %dma_start3A_231] : memref<262144x128xf32, #tpu.memory_space<hbm>> -> memref<64x128xf32, #tpu.memory_space<hbm>>
      %dma_start3A_233 = arith.constant 0 : i32
      %dma_start3A_234 = tpu.memref_slice %arg5[%add3A_230, %dma_start3A_233] : memref<262144x128xf32, #tpu.memory_space<hbm>> -> memref<64x128xf32, #tpu.memory_space<hbm>>
      tpu.enqueue_dma source(%arg10 : memref<64x128xf32, #tpu.memory_space<vmem>>) target(%dma_start3A_234 : memref<64x128xf32, #tpu.memory_space<hbm>>) target_semaphore(%arg27 : memref<!tpu.dma_semaphore, #tpu.memory_space<semaphore_mem>>)
      %ge3A = arith.constant 1 : i32
      %ge3A_235 = arith.cmpi sge, %scan3A_94, %ge3A : i32
      %convert_element_type3A_236 = arith.extui %ge3A_235 : i1 to i32
      %cond3A_237 = arith.constant 0 : i32
      %cond3A_238 = arith.cmpi ne, %convert_element_type3A_236, %cond3A_237 : i32
      scf.if %cond3A_238 {
        %add3A_869 = arith.constant 0 : i32
        %add3A_870 = arith.addi %mul3A_44, %add3A_869 : i32
        %dma_wait3A_871 = arith.constant 0 : i32
        %dma_wait3A_872 = tpu.memref_slice %arg5[%add3A_870, %dma_wait3A_871] : memref<262144x128xf32, #tpu.memory_space<hbm>> -> memref<64x128xf32, #tpu.memory_space<hbm>>
        %dma_wait3A_873 = arith.constant 0 : i32
        %dma_wait3A_874 = tpu.memref_slice %arg5[%add3A_870, %dma_wait3A_873] : memref<262144x128xf32, #tpu.memory_space<hbm>> -> memref<64x128xf32, #tpu.memory_space<hbm>>
        tpu.wait_dma2 semaphore(%arg31 : memref<!tpu.dma_semaphore, #tpu.memory_space<semaphore_mem>>) src(%arg14 : memref<64x128xf32, #tpu.memory_space<vmem>>) dst(%dma_wait3A_874 : memref<64x128xf32, #tpu.memory_space<hbm>>)
      } else {
      }
      %add3A_239 = arith.constant 4 : i32
      %add3A_240 = arith.addi %add3A_99, %add3A_239 : i32
      %mul3A_241 = arith.constant 64 : i32
      %mul3A_242 = arith.muli %add3A_240, %mul3A_241 : i32
      %dma_start3A_243 = tpu.memref_slice %arg9[%mul3A_242] : memref<8192xi32, #tpu.memory_space<vmem>> -> memref<64xi32, #tpu.memory_space<vmem>>
      %dma_start3A_244 = arith.constant 0 : i32
      %dma_start3A_245 = arith.constant 0 : i32
      %dma_start3A_246 = tpu.memref_slice %arg18[%dma_start3A_244, %dma_start3A_245] : memref<4128x128xf32, #tpu.memory_space<vmem_shared>> -> memref<4128x128xf32, #tpu.memory_space<vmem_shared>>
      tpu.enqueue_indirect_dma source(%dma_start3A_246 : memref<4128x128xf32, #tpu.memory_space<vmem_shared>>) target(%arg14 : memref<64x128xf32, #tpu.memory_space<vmem>>) offsets(%dma_start3A_243 : memref<64xi32, #tpu.memory_space<vmem>>) semaphore(%arg23 : memref<!tpu.dma_semaphore, #tpu.memory_space<semaphore_mem>>)
      %mul3A_247 = arith.constant 8 : i32
      %mul3A_248 = arith.muli %scan3A_94, %mul3A_247 : i32
      %add3A_249 = arith.constant 1 : i32
      %add3A_250 = arith.addi %mul3A_248, %add3A_249 : i32
      %add3A_251 = arith.constant 4 : i32
      %add3A_252 = arith.addi %add3A_250, %add3A_251 : i32
      %shift_right_arithmetic3A_253 = arith.constant 3 : i32
      %shift_right_arithmetic3A_254 = arith.shrsi %add3A_252, %shift_right_arithmetic3A_253 : i32
      %and3A_255 = arith.constant 7 : i32
      %and3A_256 = arith.andi %add3A_252, %and3A_255 : i32
      %mul3A_257 = arith.constant 16 : i32
      %mul3A_258 = arith.muli %and3A_256, %mul3A_257 : i32
      %get3A_259 = arith.index_cast %shift_right_arithmetic3A_254 : i32 to index
      %get3A_260 = arith.index_cast %mul3A_258 : i32 to index
      %get3A_261 = tpu.vector_load %arg6[%get3A_259, %get3A_260] {strides = array<i32>} : memref<16x128xf32, #tpu.memory_space<vmem>>, vector<1x16xf32>,
      %get3A_262 = vector.shape_cast %get3A_261 : vector<1x16xf32> to vector<16xf32>
      %mul3A_263 = arith.constant 16 : i32
      %mul3A_264 = arith.muli %and3A_256, %mul3A_263 : i32
      %get3A_265 = arith.index_cast %shift_right_arithmetic3A_254 : i32 to index
      %get3A_266 = arith.index_cast %mul3A_264 : i32 to index
      %get3A_267 = tpu.vector_load %arg7[%get3A_265, %get3A_266] {strides = array<i32>} : memref<16x128xf32, #tpu.memory_space<vmem>>, vector<1x16xf32>,
      %get3A_268 = vector.shape_cast %get3A_267 : vector<1x16xf32> to vector<16xf32>
      %lt3A_269 = arith.constant 0.000000e+00 : f32
      %lt3A_270 = vector.broadcast %lt3A_269 : f32 to vector<16xf32>
      %lt3A_271 = arith.cmpf olt, %get3A_262, %lt3A_270 : vector<16xf32>
      %mul3A_272 = arith.constant 1.024000e+03 : f32
      %mul3A_273 = vector.broadcast %mul3A_272 : f32 to vector<16xf32>
      %mul3A_274 = arith.mulf %mul3A_273, %get3A_262 : vector<16xf32>
      %div3A_275 = arith.divf %mul3A_274, %gather3A_26 : vector<16xf32>
      %convert_element_type3A_276 = arith.fptosi %div3A_275 : vector<16xf32> to vector<16xi32>
      %jit3A_277 = arith.constant 0 : i32
      %jit3A_278 = arith.constant 1023 : i32
      %max3A_279 = vector.broadcast %jit3A_277 : i32 to vector<16xi32>
      %max3A_280 = arith.maxsi %max3A_279, %convert_element_type3A_276 : vector<16xi32>
      %min3A_281 = vector.broadcast %jit3A_278 : i32 to vector<16xi32>
      %min3A_282 = arith.minsi %min3A_281, %max3A_280 : vector<16xi32>
      %mul3A_283 = arith.constant 1.024000e+03 : f32
      %mul3A_284 = vector.broadcast %mul3A_283 : f32 to vector<16xf32>
      %mul3A_285 = arith.mulf %mul3A_284, %get3A_268 : vector<16xf32>
      %div3A_286 = arith.divf %mul3A_285, %gather3A_31 : vector<16xf32>
      %convert_element_type3A_287 = arith.fptosi %div3A_286 : vector<16xf32> to vector<16xi32>
      %jit3A_288 = arith.constant 0 : i32
      %jit3A_289 = arith.constant 1023 : i32
      %max3A_290 = vector.broadcast %jit3A_288 : i32 to vector<16xi32>
      %max3A_291 = arith.maxsi %max3A_290, %convert_element_type3A_287 : vector<16xi32>
      %min3A_292 = vector.broadcast %jit3A_289 : i32 to vector<16xi32>
      %min3A_293 = arith.minsi %min3A_292, %max3A_291 : vector<16xi32>
      %add3A_294 = arith.constant 1032 : i32
      %add3A_295 = vector.broadcast %add3A_294 : i32 to vector<16xi32>
      %add3A_296 = arith.addi %min3A_293, %add3A_295 : vector<16xi32>
      %select_n3A_297 = arith.select %lt3A_271, %broadcast_in_dim3A_18, %min3A_282 : vector<16xi1>, vector<16xi32>
      %select_n3A_298 = arith.select %lt3A_271, %broadcast_in_dim3A_20, %add3A_296 : vector<16xi1>, vector<16xi32>
      %mul3A_299 = arith.constant 4 : i32
      %mul3A_300 = arith.muli %add3A_252, %mul3A_299 : i32
      %mul3A_301 = arith.constant 16 : i32
      %mul3A_302 = arith.muli %mul3A_300, %mul3A_301 : i32
      %broadcast_in_dim3A_303 = vector.shape_cast %and3A_7 : vector<16xi32> to vector<16x1xi32>
      %gather3A_304 = vector.shape_cast %broadcast_in_dim3A_303 : vector<16x1xi32> to vector<16xi32>
      %gather3A_305 = tpu.dynamic_gather %select_n3A_297[%gather3A_304] in [0] : vector<16xi32>, vector<16xi32> -> vector<16xi32>
      %shift_right_arithmetic3A_306 = arith.constant 3 : i32
      %shift_right_arithmetic3A_307 = vector.broadcast %shift_right_arithmetic3A_306 : i32 to vector<16xi32>
      %shift_right_arithmetic3A_308 = arith.shrsi %gather3A_305, %shift_right_arithmetic3A_307 : vector<16xi32>
      %shift_left3A_309 = arith.constant 4 : i32
      %shift_left3A_310 = vector.broadcast %shift_left3A_309 : i32 to vector<16xi32>
      %shift_left3A_311 = arith.shli %shift_right_arithmetic3A_308, %shift_left3A_310 : vector<16xi32>
      %add3A_312 = arith.addi %shift_left3A_311, %shift_left3A_17 : vector<16xi32>
      %and3A_313 = arith.constant 7 : i32
      %and3A_314 = vector.broadcast %and3A_313 : i32 to vector<16xi32>
      %and3A_315 = arith.andi %gather3A_305, %and3A_314 : vector<16xi32>
      %add3A_316 = arith.addi %add3A_312, %and3A_315 : vector<16xi32>
      %swap3A_317 = arith.index_cast %mul3A_302 : i32 to index
      %swap3A_318 = tpu.vector_load %arg9[%swap3A_317] {strides = array<i32>} : memref<8192xi32, #tpu.memory_space<vmem>>, vector<16xi32>,
      %swap3A_319 = vector.shape_cast %swap3A_318 : vector<16xi32> to vector<16xi32>
      %swap3A_320 = vector.shape_cast %add3A_316 : vector<16xi32> to vector<16xi32>
      tpu.vector_store %arg9[%swap3A_317], %swap3A_320 {strides = array<i32>} : memref<8192xi32, #tpu.memory_space<vmem>>, vector<16xi32>,
      %broadcast_in_dim3A_321 = vector.shape_cast %and3A_7 : vector<16xi32> to vector<16x1xi32>
      %gather3A_322 = vector.shape_cast %broadcast_in_dim3A_321 : vector<16x1xi32> to vector<16xi32>
      %gather3A_323 = tpu.dynamic_gather %select_n3A_298[%gather3A_322] in [0] : vector<16xi32>, vector<16xi32> -> vector<16xi32>
      %shift_right_arithmetic3A_324 = arith.constant 3 : i32
      %shift_right_arithmetic3A_325 = vector.broadcast %shift_right_arithmetic3A_324 : i32 to vector<16xi32>
      %shift_right_arithmetic3A_326 = arith.shrsi %gather3A_323, %shift_right_arithmetic3A_325 : vector<16xi32>
      %shift_left3A_327 = arith.constant 4 : i32
      %shift_left3A_328 = vector.broadcast %shift_left3A_327 : i32 to vector<16xi32>
      %shift_left3A_329 = arith.shli %shift_right_arithmetic3A_326, %shift_left3A_328 : vector<16xi32>
      %add3A_330 = arith.addi %shift_left3A_329, %shift_left3A_17 : vector<16xi32>
      %and3A_331 = arith.constant 7 : i32
      %and3A_332 = vector.broadcast %and3A_331 : i32 to vector<16xi32>
      %and3A_333 = arith.andi %gather3A_323, %and3A_332 : vector<16xi32>
      %add3A_334 = arith.addi %add3A_330, %and3A_333 : vector<16xi32>
      %add3A_335 = arith.constant 16 : i32
      %add3A_336 = arith.addi %mul3A_302, %add3A_335 : i32
      %swap3A_337 = arith.index_cast %add3A_336 : i32 to index
      %swap3A_338 = tpu.vector_load %arg9[%swap3A_337] {strides = array<i32>} : memref<8192xi32, #tpu.memory_space<vmem>>, vector<16xi32>,
      %swap3A_339 = vector.shape_cast %swap3A_338 : vector<16xi32> to vector<16xi32>
      %swap3A_340 = vector.shape_cast %add3A_334 : vector<16xi32> to vector<16xi32>
      tpu.vector_store %arg9[%swap3A_337], %swap3A_340 {strides = array<i32>} : memref<8192xi32, #tpu.memory_space<vmem>>, vector<16xi32>,
      %broadcast_in_dim3A_341 = vector.shape_cast %add3A_10 : vector<16xi32> to vector<16x1xi32>
      %gather3A_342 = vector.shape_cast %broadcast_in_dim3A_341 : vector<16x1xi32> to vector<16xi32>
      %gather3A_343 = tpu.dynamic_gather %select_n3A_297[%gather3A_342] in [0] : vector<16xi32>, vector<16xi32> -> vector<16xi32>
      %shift_right_arithmetic3A_344 = arith.constant 3 : i32
      %shift_right_arithmetic3A_345 = vector.broadcast %shift_right_arithmetic3A_344 : i32 to vector<16xi32>
      %shift_right_arithmetic3A_346 = arith.shrsi %gather3A_343, %shift_right_arithmetic3A_345 : vector<16xi32>
      %shift_left3A_347 = arith.constant 4 : i32
      %shift_left3A_348 = vector.broadcast %shift_left3A_347 : i32 to vector<16xi32>
      %shift_left3A_349 = arith.shli %shift_right_arithmetic3A_346, %shift_left3A_348 : vector<16xi32>
      %add3A_350 = arith.addi %shift_left3A_349, %shift_left3A_17 : vector<16xi32>
      %and3A_351 = arith.constant 7 : i32
      %and3A_352 = vector.broadcast %and3A_351 : i32 to vector<16xi32>
      %and3A_353 = arith.andi %gather3A_343, %and3A_352 : vector<16xi32>
      %add3A_354 = arith.addi %add3A_350, %and3A_353 : vector<16xi32>
      %add3A_355 = arith.constant 32 : i32
      %add3A_356 = arith.addi %mul3A_302, %add3A_355 : i32
      %swap3A_357 = arith.index_cast %add3A_356 : i32 to index
      %swap3A_358 = tpu.vector_load %arg9[%swap3A_357] {strides = array<i32>} : memref<8192xi32, #tpu.memory_space<vmem>>, vector<16xi32>,
      %swap3A_359 = vector.shape_cast %swap3A_358 : vector<16xi32> to vector<16xi32>
      %swap3A_360 = vector.shape_cast %add3A_354 : vector<16xi32> to vector<16xi32>
      tpu.vector_store %arg9[%swap3A_357], %swap3A_360 {strides = array<i32>} : memref<8192xi32, #tpu.memory_space<vmem>>, vector<16xi32>,
      %broadcast_in_dim3A_361 = vector.shape_cast %add3A_10 : vector<16xi32> to vector<16x1xi32>
      %gather3A_362 = vector.shape_cast %broadcast_in_dim3A_361 : vector<16x1xi32> to vector<16xi32>
      %gather3A_363 = tpu.dynamic_gather %select_n3A_298[%gather3A_362] in [0] : vector<16xi32>, vector<16xi32> -> vector<16xi32>
      %shift_right_arithmetic3A_364 = arith.constant 3 : i32
      %shift_right_arithmetic3A_365 = vector.broadcast %shift_right_arithmetic3A_364 : i32 to vector<16xi32>
      %shift_right_arithmetic3A_366 = arith.shrsi %gather3A_363, %shift_right_arithmetic3A_365 : vector<16xi32>
      %shift_left3A_367 = arith.constant 4 : i32
      %shift_left3A_368 = vector.broadcast %shift_left3A_367 : i32 to vector<16xi32>
      %shift_left3A_369 = arith.shli %shift_right_arithmetic3A_366, %shift_left3A_368 : vector<16xi32>
      %add3A_370 = arith.addi %shift_left3A_369, %shift_left3A_17 : vector<16xi32>
      %and3A_371 = arith.constant 7 : i32
      %and3A_372 = vector.broadcast %and3A_371 : i32 to vector<16xi32>
      %and3A_373 = arith.andi %gather3A_363, %and3A_372 : vector<16xi32>
      %add3A_374 = arith.addi %add3A_370, %and3A_373 : vector<16xi32>
      %add3A_375 = arith.constant 48 : i32
      %add3A_376 = arith.addi %mul3A_302, %add3A_375 : i32
      %swap3A_377 = arith.index_cast %add3A_376 : i32 to index
      %swap3A_378 = tpu.vector_load %arg9[%swap3A_377] {strides = array<i32>} : memref<8192xi32, #tpu.memory_space<vmem>>, vector<16xi32>,
      %swap3A_379 = vector.shape_cast %swap3A_378 : vector<16xi32> to vector<16xi32>
      %swap3A_380 = vector.shape_cast %add3A_374 : vector<16xi32> to vector<16xi32>
      tpu.vector_store %arg9[%swap3A_377], %swap3A_380 {strides = array<i32>} : memref<8192xi32, #tpu.memory_space<vmem>>, vector<16xi32>,
      %dma_wait3A_381 = arith.constant 0 : i32
      %dma_wait3A_382 = tpu.memref_slice %arg9[%dma_wait3A_381] : memref<8192xi32, #tpu.memory_space<vmem>> -> memref<64xi32, #tpu.memory_space<vmem>>
      %dma_wait3A_383 = arith.constant 0 : i32
      %dma_wait3A_384 = arith.constant 0 : i32
      %dma_wait3A_385 = tpu.memref_slice %arg18[%dma_wait3A_383, %dma_wait3A_384] : memref<4128x128xf32, #tpu.memory_space<vmem_shared>> -> memref<4128x128xf32, #tpu.memory_space<vmem_shared>>
      tpu.wait_indirect_dma semaphore(%arg20 : memref<!tpu.dma_semaphore, #tpu.memory_space<semaphore_mem>>) src(%dma_wait3A_385 : memref<4128x128xf32, #tpu.memory_space<vmem_shared>>) dst(%arg11 : memref<64x128xf32, #tpu.memory_space<vmem>>)
      %mul3A_386 = arith.constant 64 : i32
      %mul3A_387 = arith.muli %add3A_250, %mul3A_386 : i32
      %add3A_388 = arith.addi %mul3A_44, %mul3A_387 : i32
      %dma_start3A_389 = arith.constant 0 : i32
      %dma_start3A_390 = tpu.memref_slice %arg5[%add3A_388, %dma_start3A_389] : memref<262144x128xf32, #tpu.memory_space<hbm>> -> memref<64x128xf32, #tpu.memory_space<hbm>>
      %dma_start3A_391 = arith.constant 0 : i32
      %dma_start3A_392 = tpu.memref_slice %arg5[%add3A_388, %dma_start3A_391] : memref<262144x128xf32, #tpu.memory_space<hbm>> -> memref<64x128xf32, #tpu.memory_space<hbm>>
      tpu.enqueue_dma source(%arg11 : memref<64x128xf32, #tpu.memory_space<vmem>>) target(%dma_start3A_392 : memref<64x128xf32, #tpu.memory_space<hbm>>) target_semaphore(%arg28 : memref<!tpu.dma_semaphore, #tpu.memory_space<semaphore_mem>>)
      %ge3A_393 = arith.constant 1 : i32
      %ge3A_394 = arith.cmpi sge, %scan3A_94, %ge3A_393 : i32
      %convert_element_type3A_395 = arith.extui %ge3A_394 : i1 to i32
      %cond3A_396 = arith.constant 0 : i32
      %cond3A_397 = arith.cmpi ne, %convert_element_type3A_395, %cond3A_396 : i32
      scf.if %cond3A_397 {
        %add3A_869 = arith.constant 0 : i32
        %add3A_870 = arith.addi %mul3A_44, %add3A_869 : i32
        %dma_wait3A_871 = arith.constant 0 : i32
        %dma_wait3A_872 = tpu.memref_slice %arg5[%add3A_870, %dma_wait3A_871] : memref<262144x128xf32, #tpu.memory_space<hbm>> -> memref<64x128xf32, #tpu.memory_space<hbm>>
        %dma_wait3A_873 = arith.constant 0 : i32
        %dma_wait3A_874 = tpu.memref_slice %arg5[%add3A_870, %dma_wait3A_873] : memref<262144x128xf32, #tpu.memory_space<hbm>> -> memref<64x128xf32, #tpu.memory_space<hbm>>
        tpu.wait_dma2 semaphore(%arg32 : memref<!tpu.dma_semaphore, #tpu.memory_space<semaphore_mem>>) src(%arg15 : memref<64x128xf32, #tpu.memory_space<vmem>>) dst(%dma_wait3A_874 : memref<64x128xf32, #tpu.memory_space<hbm>>)
      } else {
      }
      %add3A_398 = arith.constant 4 : i32
      %add3A_399 = arith.addi %add3A_250, %add3A_398 : i32
      %mul3A_400 = arith.constant 64 : i32
      %mul3A_401 = arith.muli %add3A_399, %mul3A_400 : i32
      %dma_start3A_402 = tpu.memref_slice %arg9[%mul3A_401] : memref<8192xi32, #tpu.memory_space<vmem>> -> memref<64xi32, #tpu.memory_space<vmem>>
      %dma_start3A_403 = arith.constant 0 : i32
      %dma_start3A_404 = arith.constant 0 : i32
      %dma_start3A_405 = tpu.memref_slice %arg18[%dma_start3A_403, %dma_start3A_404] : memref<4128x128xf32, #tpu.memory_space<vmem_shared>> -> memref<4128x128xf32, #tpu.memory_space<vmem_shared>>
      tpu.enqueue_indirect_dma source(%dma_start3A_405 : memref<4128x128xf32, #tpu.memory_space<vmem_shared>>) target(%arg15 : memref<64x128xf32, #tpu.memory_space<vmem>>) offsets(%dma_start3A_402 : memref<64xi32, #tpu.memory_space<vmem>>) semaphore(%arg24 : memref<!tpu.dma_semaphore, #tpu.memory_space<semaphore_mem>>)
      %mul3A_406 = arith.constant 8 : i32
      %mul3A_407 = arith.muli %scan3A_94, %mul3A_406 : i32
      %add3A_408 = arith.constant 2 : i32
      %add3A_409 = arith.addi %mul3A_407, %add3A_408 : i32
      %add3A_410 = arith.constant 4 : i32
      %add3A_411 = arith.addi %add3A_409, %add3A_410 : i32
      %shift_right_arithmetic3A_412 = arith.constant 3 : i32
      %shift_right_arithmetic3A_413 = arith.shrsi %add3A_411, %shift_right_arithmetic3A_412 : i32
      %and3A_414 = arith.constant 7 : i32
      %and3A_415 = arith.andi %add3A_411, %and3A_414 : i32
      %mul3A_416 = arith.constant 16 : i32
      %mul3A_417 = arith.muli %and3A_415, %mul3A_416 : i32
      %get3A_418 = arith.index_cast %shift_right_arithmetic3A_413 : i32 to index
      %get3A_419 = arith.index_cast %mul3A_417 : i32 to index
      %get3A_420 = tpu.vector_load %arg6[%get3A_418, %get3A_419] {strides = array<i32>} : memref<16x128xf32, #tpu.memory_space<vmem>>, vector<1x16xf32>,
      %get3A_421 = vector.shape_cast %get3A_420 : vector<1x16xf32> to vector<16xf32>
      %mul3A_422 = arith.constant 16 : i32
      %mul3A_423 = arith.muli %and3A_415, %mul3A_422 : i32
      %get3A_424 = arith.index_cast %shift_right_arithmetic3A_413 : i32 to index
      %get3A_425 = arith.index_cast %mul3A_423 : i32 to index
      %get3A_426 = tpu.vector_load %arg7[%get3A_424, %get3A_425] {strides = array<i32>} : memref<16x128xf32, #tpu.memory_space<vmem>>, vector<1x16xf32>,
      %get3A_427 = vector.shape_cast %get3A_426 : vector<1x16xf32> to vector<16xf32>
      %lt3A_428 = arith.constant 0.000000e+00 : f32
      %lt3A_429 = vector.broadcast %lt3A_428 : f32 to vector<16xf32>
      %lt3A_430 = arith.cmpf olt, %get3A_421, %lt3A_429 : vector<16xf32>
      %mul3A_431 = arith.constant 1.024000e+03 : f32
      %mul3A_432 = vector.broadcast %mul3A_431 : f32 to vector<16xf32>
      %mul3A_433 = arith.mulf %mul3A_432, %get3A_421 : vector<16xf32>
      %div3A_434 = arith.divf %mul3A_433, %gather3A_26 : vector<16xf32>
      %convert_element_type3A_435 = arith.fptosi %div3A_434 : vector<16xf32> to vector<16xi32>
      %jit3A_436 = arith.constant 0 : i32
      %jit3A_437 = arith.constant 1023 : i32
      %max3A_438 = vector.broadcast %jit3A_436 : i32 to vector<16xi32>
      %max3A_439 = arith.maxsi %max3A_438, %convert_element_type3A_435 : vector<16xi32>
      %min3A_440 = vector.broadcast %jit3A_437 : i32 to vector<16xi32>
      %min3A_441 = arith.minsi %min3A_440, %max3A_439 : vector<16xi32>
      %mul3A_442 = arith.constant 1.024000e+03 : f32
      %mul3A_443 = vector.broadcast %mul3A_442 : f32 to vector<16xf32>
      %mul3A_444 = arith.mulf %mul3A_443, %get3A_427 : vector<16xf32>
      %div3A_445 = arith.divf %mul3A_444, %gather3A_31 : vector<16xf32>
      %convert_element_type3A_446 = arith.fptosi %div3A_445 : vector<16xf32> to vector<16xi32>
      %jit3A_447 = arith.constant 0 : i32
      %jit3A_448 = arith.constant 1023 : i32
      %max3A_449 = vector.broadcast %jit3A_447 : i32 to vector<16xi32>
      %max3A_450 = arith.maxsi %max3A_449, %convert_element_type3A_446 : vector<16xi32>
      %min3A_451 = vector.broadcast %jit3A_448 : i32 to vector<16xi32>
      %min3A_452 = arith.minsi %min3A_451, %max3A_450 : vector<16xi32>
      %add3A_453 = arith.constant 1032 : i32
      %add3A_454 = vector.broadcast %add3A_453 : i32 to vector<16xi32>
      %add3A_455 = arith.addi %min3A_452, %add3A_454 : vector<16xi32>
      %select_n3A_456 = arith.select %lt3A_430, %broadcast_in_dim3A_18, %min3A_441 : vector<16xi1>, vector<16xi32>
      %select_n3A_457 = arith.select %lt3A_430, %broadcast_in_dim3A_20, %add3A_455 : vector<16xi1>, vector<16xi32>
      %mul3A_458 = arith.constant 4 : i32
      %mul3A_459 = arith.muli %add3A_411, %mul3A_458 : i32
      %mul3A_460 = arith.constant 16 : i32
      %mul3A_461 = arith.muli %mul3A_459, %mul3A_460 : i32
      %broadcast_in_dim3A_462 = vector.shape_cast %and3A_7 : vector<16xi32> to vector<16x1xi32>
      %gather3A_463 = vector.shape_cast %broadcast_in_dim3A_462 : vector<16x1xi32> to vector<16xi32>
      %gather3A_464 = tpu.dynamic_gather %select_n3A_456[%gather3A_463] in [0] : vector<16xi32>, vector<16xi32> -> vector<16xi32>
      %shift_right_arithmetic3A_465 = arith.constant 3 : i32
      %shift_right_arithmetic3A_466 = vector.broadcast %shift_right_arithmetic3A_465 : i32 to vector<16xi32>
      %shift_right_arithmetic3A_467 = arith.shrsi %gather3A_464, %shift_right_arithmetic3A_466 : vector<16xi32>
      %shift_left3A_468 = arith.constant 4 : i32
      %shift_left3A_469 = vector.broadcast %shift_left3A_468 : i32 to vector<16xi32>
      %shift_left3A_470 = arith.shli %shift_right_arithmetic3A_467, %shift_left3A_469 : vector<16xi32>
      %add3A_471 = arith.addi %shift_left3A_470, %shift_left3A_17 : vector<16xi32>
      %and3A_472 = arith.constant 7 : i32
      %and3A_473 = vector.broadcast %and3A_472 : i32 to vector<16xi32>
      %and3A_474 = arith.andi %gather3A_464, %and3A_473 : vector<16xi32>
      %add3A_475 = arith.addi %add3A_471, %and3A_474 : vector<16xi32>
      %swap3A_476 = arith.index_cast %mul3A_461 : i32 to index
      %swap3A_477 = tpu.vector_load %arg9[%swap3A_476] {strides = array<i32>} : memref<8192xi32, #tpu.memory_space<vmem>>, vector<16xi32>,
      %swap3A_478 = vector.shape_cast %swap3A_477 : vector<16xi32> to vector<16xi32>
      %swap3A_479 = vector.shape_cast %add3A_475 : vector<16xi32> to vector<16xi32>
      tpu.vector_store %arg9[%swap3A_476], %swap3A_479 {strides = array<i32>} : memref<8192xi32, #tpu.memory_space<vmem>>, vector<16xi32>,
      %broadcast_in_dim3A_480 = vector.shape_cast %and3A_7 : vector<16xi32> to vector<16x1xi32>
      %gather3A_481 = vector.shape_cast %broadcast_in_dim3A_480 : vector<16x1xi32> to vector<16xi32>
      %gather3A_482 = tpu.dynamic_gather %select_n3A_457[%gather3A_481] in [0] : vector<16xi32>, vector<16xi32> -> vector<16xi32>
      %shift_right_arithmetic3A_483 = arith.constant 3 : i32
      %shift_right_arithmetic3A_484 = vector.broadcast %shift_right_arithmetic3A_483 : i32 to vector<16xi32>
      %shift_right_arithmetic3A_485 = arith.shrsi %gather3A_482, %shift_right_arithmetic3A_484 : vector<16xi32>
      %shift_left3A_486 = arith.constant 4 : i32
      %shift_left3A_487 = vector.broadcast %shift_left3A_486 : i32 to vector<16xi32>
      %shift_left3A_488 = arith.shli %shift_right_arithmetic3A_485, %shift_left3A_487 : vector<16xi32>
      %add3A_489 = arith.addi %shift_left3A_488, %shift_left3A_17 : vector<16xi32>
      %and3A_490 = arith.constant 7 : i32
      %and3A_491 = vector.broadcast %and3A_490 : i32 to vector<16xi32>
      %and3A_492 = arith.andi %gather3A_482, %and3A_491 : vector<16xi32>
      %add3A_493 = arith.addi %add3A_489, %and3A_492 : vector<16xi32>
      %add3A_494 = arith.constant 16 : i32
      %add3A_495 = arith.addi %mul3A_461, %add3A_494 : i32
      %swap3A_496 = arith.index_cast %add3A_495 : i32 to index
      %swap3A_497 = tpu.vector_load %arg9[%swap3A_496] {strides = array<i32>} : memref<8192xi32, #tpu.memory_space<vmem>>, vector<16xi32>,
      %swap3A_498 = vector.shape_cast %swap3A_497 : vector<16xi32> to vector<16xi32>
      %swap3A_499 = vector.shape_cast %add3A_493 : vector<16xi32> to vector<16xi32>
      tpu.vector_store %arg9[%swap3A_496], %swap3A_499 {strides = array<i32>} : memref<8192xi32, #tpu.memory_space<vmem>>, vector<16xi32>,
      %broadcast_in_dim3A_500 = vector.shape_cast %add3A_10 : vector<16xi32> to vector<16x1xi32>
      %gather3A_501 = vector.shape_cast %broadcast_in_dim3A_500 : vector<16x1xi32> to vector<16xi32>
      %gather3A_502 = tpu.dynamic_gather %select_n3A_456[%gather3A_501] in [0] : vector<16xi32>, vector<16xi32> -> vector<16xi32>
      %shift_right_arithmetic3A_503 = arith.constant 3 : i32
      %shift_right_arithmetic3A_504 = vector.broadcast %shift_right_arithmetic3A_503 : i32 to vector<16xi32>
      %shift_right_arithmetic3A_505 = arith.shrsi %gather3A_502, %shift_right_arithmetic3A_504 : vector<16xi32>
      %shift_left3A_506 = arith.constant 4 : i32
      %shift_left3A_507 = vector.broadcast %shift_left3A_506 : i32 to vector<16xi32>
      %shift_left3A_508 = arith.shli %shift_right_arithmetic3A_505, %shift_left3A_507 : vector<16xi32>
      %add3A_509 = arith.addi %shift_left3A_508, %shift_left3A_17 : vector<16xi32>
      %and3A_510 = arith.constant 7 : i32
      %and3A_511 = vector.broadcast %and3A_510 : i32 to vector<16xi32>
      %and3A_512 = arith.andi %gather3A_502, %and3A_511 : vector<16xi32>
      %add3A_513 = arith.addi %add3A_509, %and3A_512 : vector<16xi32>
      %add3A_514 = arith.constant 32 : i32
      %add3A_515 = arith.addi %mul3A_461, %add3A_514 : i32
      %swap3A_516 = arith.index_cast %add3A_515 : i32 to index
      %swap3A_517 = tpu.vector_load %arg9[%swap3A_516] {strides = array<i32>} : memref<8192xi32, #tpu.memory_space<vmem>>, vector<16xi32>,
      %swap3A_518 = vector.shape_cast %swap3A_517 : vector<16xi32> to vector<16xi32>
      %swap3A_519 = vector.shape_cast %add3A_513 : vector<16xi32> to vector<16xi32>
      tpu.vector_store %arg9[%swap3A_516], %swap3A_519 {strides = array<i32>} : memref<8192xi32, #tpu.memory_space<vmem>>, vector<16xi32>,
      %broadcast_in_dim3A_520 = vector.shape_cast %add3A_10 : vector<16xi32> to vector<16x1xi32>
      %gather3A_521 = vector.shape_cast %broadcast_in_dim3A_520 : vector<16x1xi32> to vector<16xi32>
      %gather3A_522 = tpu.dynamic_gather %select_n3A_457[%gather3A_521] in [0] : vector<16xi32>, vector<16xi32> -> vector<16xi32>
      %shift_right_arithmetic3A_523 = arith.constant 3 : i32
      %shift_right_arithmetic3A_524 = vector.broadcast %shift_right_arithmetic3A_523 : i32 to vector<16xi32>
      %shift_right_arithmetic3A_525 = arith.shrsi %gather3A_522, %shift_right_arithmetic3A_524 : vector<16xi32>
      %shift_left3A_526 = arith.constant 4 : i32
      %shift_left3A_527 = vector.broadcast %shift_left3A_526 : i32 to vector<16xi32>
      %shift_left3A_528 = arith.shli %shift_right_arithmetic3A_525, %shift_left3A_527 : vector<16xi32>
      %add3A_529 = arith.addi %shift_left3A_528, %shift_left3A_17 : vector<16xi32>
      %and3A_530 = arith.constant 7 : i32
      %and3A_531 = vector.broadcast %and3A_530 : i32 to vector<16xi32>
      %and3A_532 = arith.andi %gather3A_522, %and3A_531 : vector<16xi32>
      %add3A_533 = arith.addi %add3A_529, %and3A_532 : vector<16xi32>
      %add3A_534 = arith.constant 48 : i32
      %add3A_535 = arith.addi %mul3A_461, %add3A_534 : i32
      %swap3A_536 = arith.index_cast %add3A_535 : i32 to index
      %swap3A_537 = tpu.vector_load %arg9[%swap3A_536] {strides = array<i32>} : memref<8192xi32, #tpu.memory_space<vmem>>, vector<16xi32>,
      %swap3A_538 = vector.shape_cast %swap3A_537 : vector<16xi32> to vector<16xi32>
      %swap3A_539 = vector.shape_cast %add3A_533 : vector<16xi32> to vector<16xi32>
      tpu.vector_store %arg9[%swap3A_536], %swap3A_539 {strides = array<i32>} : memref<8192xi32, #tpu.memory_space<vmem>>, vector<16xi32>,
      %dma_wait3A_540 = arith.constant 0 : i32
      %dma_wait3A_541 = tpu.memref_slice %arg9[%dma_wait3A_540] : memref<8192xi32, #tpu.memory_space<vmem>> -> memref<64xi32, #tpu.memory_space<vmem>>
      %dma_wait3A_542 = arith.constant 0 : i32
      %dma_wait3A_543 = arith.constant 0 : i32
      %dma_wait3A_544 = tpu.memref_slice %arg18[%dma_wait3A_542, %dma_wait3A_543] : memref<4128x128xf32, #tpu.memory_space<vmem_shared>> -> memref<4128x128xf32, #tpu.memory_space<vmem_shared>>
      tpu.wait_indirect_dma semaphore(%arg21 : memref<!tpu.dma_semaphore, #tpu.memory_space<semaphore_mem>>) src(%dma_wait3A_544 : memref<4128x128xf32, #tpu.memory_space<vmem_shared>>) dst(%arg12 : memref<64x128xf32, #tpu.memory_space<vmem>>)
      %mul3A_545 = arith.constant 64 : i32
      %mul3A_546 = arith.muli %add3A_409, %mul3A_545 : i32
      %add3A_547 = arith.addi %mul3A_44, %mul3A_546 : i32
      %dma_start3A_548 = arith.constant 0 : i32
      %dma_start3A_549 = tpu.memref_slice %arg5[%add3A_547, %dma_start3A_548] : memref<262144x128xf32, #tpu.memory_space<hbm>> -> memref<64x128xf32, #tpu.memory_space<hbm>>
      %dma_start3A_550 = arith.constant 0 : i32
      %dma_start3A_551 = tpu.memref_slice %arg5[%add3A_547, %dma_start3A_550] : memref<262144x128xf32, #tpu.memory_space<hbm>> -> memref<64x128xf32, #tpu.memory_space<hbm>>
      tpu.enqueue_dma source(%arg12 : memref<64x128xf32, #tpu.memory_space<vmem>>) target(%dma_start3A_551 : memref<64x128xf32, #tpu.memory_space<hbm>>) target_semaphore(%arg29 : memref<!tpu.dma_semaphore, #tpu.memory_space<semaphore_mem>>)
      %ge3A_552 = arith.constant 1 : i32
      %ge3A_553 = arith.cmpi sge, %scan3A_94, %ge3A_552 : i32
      %convert_element_type3A_554 = arith.extui %ge3A_553 : i1 to i32
      %cond3A_555 = arith.constant 0 : i32
      %cond3A_556 = arith.cmpi ne, %convert_element_type3A_554, %cond3A_555 : i32
      scf.if %cond3A_556 {
        %add3A_869 = arith.constant 0 : i32
        %add3A_870 = arith.addi %mul3A_44, %add3A_869 : i32
        %dma_wait3A_871 = arith.constant 0 : i32
        %dma_wait3A_872 = tpu.memref_slice %arg5[%add3A_870, %dma_wait3A_871] : memref<262144x128xf32, #tpu.memory_space<hbm>> -> memref<64x128xf32, #tpu.memory_space<hbm>>
        %dma_wait3A_873 = arith.constant 0 : i32
        %dma_wait3A_874 = tpu.memref_slice %arg5[%add3A_870, %dma_wait3A_873] : memref<262144x128xf32, #tpu.memory_space<hbm>> -> memref<64x128xf32, #tpu.memory_space<hbm>>
        tpu.wait_dma2 semaphore(%arg33 : memref<!tpu.dma_semaphore, #tpu.memory_space<semaphore_mem>>) src(%arg16 : memref<64x128xf32, #tpu.memory_space<vmem>>) dst(%dma_wait3A_874 : memref<64x128xf32, #tpu.memory_space<hbm>>)
      } else {
      }
      %add3A_557 = arith.constant 4 : i32
      %add3A_558 = arith.addi %add3A_409, %add3A_557 : i32
      %mul3A_559 = arith.constant 64 : i32
      %mul3A_560 = arith.muli %add3A_558, %mul3A_559 : i32
      %dma_start3A_561 = tpu.memref_slice %arg9[%mul3A_560] : memref<8192xi32, #tpu.memory_space<vmem>> -> memref<64xi32, #tpu.memory_space<vmem>>
      %dma_start3A_562 = arith.constant 0 : i32
      %dma_start3A_563 = arith.constant 0 : i32
      %dma_start3A_564 = tpu.memref_slice %arg18[%dma_start3A_562, %dma_start3A_563] : memref<4128x128xf32, #tpu.memory_space<vmem_shared>> -> memref<4128x128xf32, #tpu.memory_space<vmem_shared>>
      tpu.enqueue_indirect_dma source(%dma_start3A_564 : memref<4128x128xf32, #tpu.memory_space<vmem_shared>>) target(%arg16 : memref<64x128xf32, #tpu.memory_space<vmem>>) offsets(%dma_start3A_561 : memref<64xi32, #tpu.memory_space<vmem>>) semaphore(%arg25 : memref<!tpu.dma_semaphore, #tpu.memory_space<semaphore_mem>>)
      %mul3A_565 = arith.constant 8 : i32
      %mul3A_566 = arith.muli %scan3A_94, %mul3A_565 : i32
      %add3A_567 = arith.constant 3 : i32
      %add3A_568 = arith.addi %mul3A_566, %add3A_567 : i32
      %add3A_569 = arith.constant 4 : i32
      %add3A_570 = arith.addi %add3A_568, %add3A_569 : i32
      %shift_right_arithmetic3A_571 = arith.constant 3 : i32
      %shift_right_arithmetic3A_572 = arith.shrsi %add3A_570, %shift_right_arithmetic3A_571 : i32
      %and3A_573 = arith.constant 7 : i32
      %and3A_574 = arith.andi %add3A_570, %and3A_573 : i32
      %mul3A_575 = arith.constant 16 : i32
      %mul3A_576 = arith.muli %and3A_574, %mul3A_575 : i32
      %get3A_577 = arith.index_cast %shift_right_arithmetic3A_572 : i32 to index
      %get3A_578 = arith.index_cast %mul3A_576 : i32 to index
      %get3A_579 = tpu.vector_load %arg6[%get3A_577, %get3A_578] {strides = array<i32>} : memref<16x128xf32, #tpu.memory_space<vmem>>, vector<1x16xf32>,
      %get3A_580 = vector.shape_cast %get3A_579 : vector<1x16xf32> to vector<16xf32>
      %mul3A_581 = arith.constant 16 : i32
      %mul3A_582 = arith.muli %and3A_574, %mul3A_581 : i32
      %get3A_583 = arith.index_cast %shift_right_arithmetic3A_572 : i32 to index
      %get3A_584 = arith.index_cast %mul3A_582 : i32 to index
      %get3A_585 = tpu.vector_load %arg7[%get3A_583, %get3A_584] {strides = array<i32>} : memref<16x128xf32, #tpu.memory_space<vmem>>, vector<1x16xf32>,
      %get3A_586 = vector.shape_cast %get3A_585 : vector<1x16xf32> to vector<16xf32>
      %lt3A_587 = arith.constant 0.000000e+00 : f32
      %lt3A_588 = vector.broadcast %lt3A_587 : f32 to vector<16xf32>
      %lt3A_589 = arith.cmpf olt, %get3A_580, %lt3A_588 : vector<16xf32>
      %mul3A_590 = arith.constant 1.024000e+03 : f32
      %mul3A_591 = vector.broadcast %mul3A_590 : f32 to vector<16xf32>
      %mul3A_592 = arith.mulf %mul3A_591, %get3A_580 : vector<16xf32>
      %div3A_593 = arith.divf %mul3A_592, %gather3A_26 : vector<16xf32>
      %convert_element_type3A_594 = arith.fptosi %div3A_593 : vector<16xf32> to vector<16xi32>
      %jit3A_595 = arith.constant 0 : i32
      %jit3A_596 = arith.constant 1023 : i32
      %max3A_597 = vector.broadcast %jit3A_595 : i32 to vector<16xi32>
      %max3A_598 = arith.maxsi %max3A_597, %convert_element_type3A_594 : vector<16xi32>
      %min3A_599 = vector.broadcast %jit3A_596 : i32 to vector<16xi32>
      %min3A_600 = arith.minsi %min3A_599, %max3A_598 : vector<16xi32>
      %mul3A_601 = arith.constant 1.024000e+03 : f32
      %mul3A_602 = vector.broadcast %mul3A_601 : f32 to vector<16xf32>
      %mul3A_603 = arith.mulf %mul3A_602, %get3A_586 : vector<16xf32>
      %div3A_604 = arith.divf %mul3A_603, %gather3A_31 : vector<16xf32>
      %convert_element_type3A_605 = arith.fptosi %div3A_604 : vector<16xf32> to vector<16xi32>
      %jit3A_606 = arith.constant 0 : i32
      %jit3A_607 = arith.constant 1023 : i32
      %max3A_608 = vector.broadcast %jit3A_606 : i32 to vector<16xi32>
      %max3A_609 = arith.maxsi %max3A_608, %convert_element_type3A_605 : vector<16xi32>
      %min3A_610 = vector.broadcast %jit3A_607 : i32 to vector<16xi32>
      %min3A_611 = arith.minsi %min3A_610, %max3A_609 : vector<16xi32>
      %add3A_612 = arith.constant 1032 : i32
      %add3A_613 = vector.broadcast %add3A_612 : i32 to vector<16xi32>
      %add3A_614 = arith.addi %min3A_611, %add3A_613 : vector<16xi32>
      %select_n3A_615 = arith.select %lt3A_589, %broadcast_in_dim3A_18, %min3A_600 : vector<16xi1>, vector<16xi32>
      %select_n3A_616 = arith.select %lt3A_589, %broadcast_in_dim3A_20, %add3A_614 : vector<16xi1>, vector<16xi32>
      %mul3A_617 = arith.constant 4 : i32
      %mul3A_618 = arith.muli %add3A_570, %mul3A_617 : i32
      %mul3A_619 = arith.constant 16 : i32
      %mul3A_620 = arith.muli %mul3A_618, %mul3A_619 : i32
      %broadcast_in_dim3A_621 = vector.shape_cast %and3A_7 : vector<16xi32> to vector<16x1xi32>
      %gather3A_622 = vector.shape_cast %broadcast_in_dim3A_621 : vector<16x1xi32> to vector<16xi32>
      %gather3A_623 = tpu.dynamic_gather %select_n3A_615[%gather3A_622] in [0] : vector<16xi32>, vector<16xi32> -> vector<16xi32>
      %shift_right_arithmetic3A_624 = arith.constant 3 : i32
      %shift_right_arithmetic3A_625 = vector.broadcast %shift_right_arithmetic3A_624 : i32 to vector<16xi32>
      %shift_right_arithmetic3A_626 = arith.shrsi %gather3A_623, %shift_right_arithmetic3A_625 : vector<16xi32>
      %shift_left3A_627 = arith.constant 4 : i32
      %shift_left3A_628 = vector.broadcast %shift_left3A_627 : i32 to vector<16xi32>
      %shift_left3A_629 = arith.shli %shift_right_arithmetic3A_626, %shift_left3A_628 : vector<16xi32>
      %add3A_630 = arith.addi %shift_left3A_629, %shift_left3A_17 : vector<16xi32>
      %and3A_631 = arith.constant 7 : i32
      %and3A_632 = vector.broadcast %and3A_631 : i32 to vector<16xi32>
      %and3A_633 = arith.andi %gather3A_623, %and3A_632 : vector<16xi32>
      %add3A_634 = arith.addi %add3A_630, %and3A_633 : vector<16xi32>
      %swap3A_635 = arith.index_cast %mul3A_620 : i32 to index
      %swap3A_636 = tpu.vector_load %arg9[%swap3A_635] {strides = array<i32>} : memref<8192xi32, #tpu.memory_space<vmem>>, vector<16xi32>,
      %swap3A_637 = vector.shape_cast %swap3A_636 : vector<16xi32> to vector<16xi32>
      %swap3A_638 = vector.shape_cast %add3A_634 : vector<16xi32> to vector<16xi32>
      tpu.vector_store %arg9[%swap3A_635], %swap3A_638 {strides = array<i32>} : memref<8192xi32, #tpu.memory_space<vmem>>, vector<16xi32>,
      %broadcast_in_dim3A_639 = vector.shape_cast %and3A_7 : vector<16xi32> to vector<16x1xi32>
      %gather3A_640 = vector.shape_cast %broadcast_in_dim3A_639 : vector<16x1xi32> to vector<16xi32>
      %gather3A_641 = tpu.dynamic_gather %select_n3A_616[%gather3A_640] in [0] : vector<16xi32>, vector<16xi32> -> vector<16xi32>
      %shift_right_arithmetic3A_642 = arith.constant 3 : i32
      %shift_right_arithmetic3A_643 = vector.broadcast %shift_right_arithmetic3A_642 : i32 to vector<16xi32>
      %shift_right_arithmetic3A_644 = arith.shrsi %gather3A_641, %shift_right_arithmetic3A_643 : vector<16xi32>
      %shift_left3A_645 = arith.constant 4 : i32
      %shift_left3A_646 = vector.broadcast %shift_left3A_645 : i32 to vector<16xi32>
      %shift_left3A_647 = arith.shli %shift_right_arithmetic3A_644, %shift_left3A_646 : vector<16xi32>
      %add3A_648 = arith.addi %shift_left3A_647, %shift_left3A_17 : vector<16xi32>
      %and3A_649 = arith.constant 7 : i32
      %and3A_650 = vector.broadcast %and3A_649 : i32 to vector<16xi32>
      %and3A_651 = arith.andi %gather3A_641, %and3A_650 : vector<16xi32>
      %add3A_652 = arith.addi %add3A_648, %and3A_651 : vector<16xi32>
      %add3A_653 = arith.constant 16 : i32
      %add3A_654 = arith.addi %mul3A_620, %add3A_653 : i32
      %swap3A_655 = arith.index_cast %add3A_654 : i32 to index
      %swap3A_656 = tpu.vector_load %arg9[%swap3A_655] {strides = array<i32>} : memref<8192xi32, #tpu.memory_space<vmem>>, vector<16xi32>,
      %swap3A_657 = vector.shape_cast %swap3A_656 : vector<16xi32> to vector<16xi32>
      %swap3A_658 = vector.shape_cast %add3A_652 : vector<16xi32> to vector<16xi32>
      tpu.vector_store %arg9[%swap3A_655], %swap3A_658 {strides = array<i32>} : memref<8192xi32, #tpu.memory_space<vmem>>, vector<16xi32>,
      %broadcast_in_dim3A_659 = vector.shape_cast %add3A_10 : vector<16xi32> to vector<16x1xi32>
      %gather3A_660 = vector.shape_cast %broadcast_in_dim3A_659 : vector<16x1xi32> to vector<16xi32>
      %gather3A_661 = tpu.dynamic_gather %select_n3A_615[%gather3A_660] in [0] : vector<16xi32>, vector<16xi32> -> vector<16xi32>
      %shift_right_arithmetic3A_662 = arith.constant 3 : i32
      %shift_right_arithmetic3A_663 = vector.broadcast %shift_right_arithmetic3A_662 : i32 to vector<16xi32>
      %shift_right_arithmetic3A_664 = arith.shrsi %gather3A_661, %shift_right_arithmetic3A_663 : vector<16xi32>
      %shift_left3A_665 = arith.constant 4 : i32
      %shift_left3A_666 = vector.broadcast %shift_left3A_665 : i32 to vector<16xi32>
      %shift_left3A_667 = arith.shli %shift_right_arithmetic3A_664, %shift_left3A_666 : vector<16xi32>
      %add3A_668 = arith.addi %shift_left3A_667, %shift_left3A_17 : vector<16xi32>
      %and3A_669 = arith.constant 7 : i32
      %and3A_670 = vector.broadcast %and3A_669 : i32 to vector<16xi32>
      %and3A_671 = arith.andi %gather3A_661, %and3A_670 : vector<16xi32>
      %add3A_672 = arith.addi %add3A_668, %and3A_671 : vector<16xi32>
      %add3A_673 = arith.constant 32 : i32
      %add3A_674 = arith.addi %mul3A_620, %add3A_673 : i32
      %swap3A_675 = arith.index_cast %add3A_674 : i32 to index
      %swap3A_676 = tpu.vector_load %arg9[%swap3A_675] {strides = array<i32>} : memref<8192xi32, #tpu.memory_space<vmem>>, vector<16xi32>,
      %swap3A_677 = vector.shape_cast %swap3A_676 : vector<16xi32> to vector<16xi32>
      %swap3A_678 = vector.shape_cast %add3A_672 : vector<16xi32> to vector<16xi32>
      tpu.vector_store %arg9[%swap3A_675], %swap3A_678 {strides = array<i32>} : memref<8192xi32, #tpu.memory_space<vmem>>, vector<16xi32>,
      %broadcast_in_dim3A_679 = vector.shape_cast %add3A_10 : vector<16xi32> to vector<16x1xi32>
      %gather3A_680 = vector.shape_cast %broadcast_in_dim3A_679 : vector<16x1xi32> to vector<16xi32>
      %gather3A_681 = tpu.dynamic_gather %select_n3A_616[%gather3A_680] in [0] : vector<16xi32>, vector<16xi32> -> vector<16xi32>
      %shift_right_arithmetic3A_682 = arith.constant 3 : i32
      %shift_right_arithmetic3A_683 = vector.broadcast %shift_right_arithmetic3A_682 : i32 to vector<16xi32>
      %shift_right_arithmetic3A_684 = arith.shrsi %gather3A_681, %shift_right_arithmetic3A_683 : vector<16xi32>
      %shift_left3A_685 = arith.constant 4 : i32
      %shift_left3A_686 = vector.broadcast %shift_left3A_685 : i32 to vector<16xi32>
      %shift_left3A_687 = arith.shli %shift_right_arithmetic3A_684, %shift_left3A_686 : vector<16xi32>
      %add3A_688 = arith.addi %shift_left3A_687, %shift_left3A_17 : vector<16xi32>
      %and3A_689 = arith.constant 7 : i32
      %and3A_690 = vector.broadcast %and3A_689 : i32 to vector<16xi32>
      %and3A_691 = arith.andi %gather3A_681, %and3A_690 : vector<16xi32>
      %add3A_692 = arith.addi %add3A_688, %and3A_691 : vector<16xi32>
      %add3A_693 = arith.constant 48 : i32
      %add3A_694 = arith.addi %mul3A_620, %add3A_693 : i32
      %swap3A_695 = arith.index_cast %add3A_694 : i32 to index
      %swap3A_696 = tpu.vector_load %arg9[%swap3A_695] {strides = array<i32>} : memref<8192xi32, #tpu.memory_space<vmem>>, vector<16xi32>,
      %swap3A_697 = vector.shape_cast %swap3A_696 : vector<16xi32> to vector<16xi32>
      %swap3A_698 = vector.shape_cast %add3A_692 : vector<16xi32> to vector<16xi32>
      tpu.vector_store %arg9[%swap3A_695], %swap3A_698 {strides = array<i32>} : memref<8192xi32, #tpu.memory_space<vmem>>, vector<16xi32>,
      %dma_wait3A_699 = arith.constant 0 : i32
      %dma_wait3A_700 = tpu.memref_slice %arg9[%dma_wait3A_699] : memref<8192xi32, #tpu.memory_space<vmem>> -> memref<64xi32, #tpu.memory_space<vmem>>
      %dma_wait3A_701 = arith.constant 0 : i32
      %dma_wait3A_702 = arith.constant 0 : i32
      %dma_wait3A_703 = tpu.memref_slice %arg18[%dma_wait3A_701, %dma_wait3A_702] : memref<4128x128xf32, #tpu.memory_space<vmem_shared>> -> memref<4128x128xf32, #tpu.memory_space<vmem_shared>>
      tpu.wait_indirect_dma semaphore(%arg22 : memref<!tpu.dma_semaphore, #tpu.memory_space<semaphore_mem>>) src(%dma_wait3A_703 : memref<4128x128xf32, #tpu.memory_space<vmem_shared>>) dst(%arg13 : memref<64x128xf32, #tpu.memory_space<vmem>>)
      %mul3A_704 = arith.constant 64 : i32
      %mul3A_705 = arith.muli %add3A_568, %mul3A_704 : i32
      %add3A_706 = arith.addi %mul3A_44, %mul3A_705 : i32
      %dma_start3A_707 = arith.constant 0 : i32
      %dma_start3A_708 = tpu.memref_slice %arg5[%add3A_706, %dma_start3A_707] : memref<262144x128xf32, #tpu.memory_space<hbm>> -> memref<64x128xf32, #tpu.memory_space<hbm>>
      %dma_start3A_709 = arith.constant 0 : i32
      %dma_start3A_710 = tpu.memref_slice %arg5[%add3A_706, %dma_start3A_709] : memref<262144x128xf32, #tpu.memory_space<hbm>> -> memref<64x128xf32, #tpu.memory_space<hbm>>
      tpu.enqueue_dma source(%arg13 : memref<64x128xf32, #tpu.memory_space<vmem>>) target(%dma_start3A_710 : memref<64x128xf32, #tpu.memory_space<hbm>>) target_semaphore(%arg30 : memref<!tpu.dma_semaphore, #tpu.memory_space<semaphore_mem>>)
      %ge3A_711 = arith.constant 1 : i32
      %ge3A_712 = arith.cmpi sge, %scan3A_94, %ge3A_711 : i32
      %convert_element_type3A_713 = arith.extui %ge3A_712 : i1 to i32
      %cond3A_714 = arith.constant 0 : i32
      %cond3A_715 = arith.cmpi ne, %convert_element_type3A_713, %cond3A_714 : i32
      scf.if %cond3A_715 {
        %add3A_869 = arith.constant 0 : i32
        %add3A_870 = arith.addi %mul3A_44, %add3A_869 : i32
        %dma_wait3A_871 = arith.constant 0 : i32
        %dma_wait3A_872 = tpu.memref_slice %arg5[%add3A_870, %dma_wait3A_871] : memref<262144x128xf32, #tpu.memory_space<hbm>> -> memref<64x128xf32, #tpu.memory_space<hbm>>
        %dma_wait3A_873 = arith.constant 0 : i32
        %dma_wait3A_874 = tpu.memref_slice %arg5[%add3A_870, %dma_wait3A_873] : memref<262144x128xf32, #tpu.memory_space<hbm>> -> memref<64x128xf32, #tpu.memory_space<hbm>>
        tpu.wait_dma2 semaphore(%arg34 : memref<!tpu.dma_semaphore, #tpu.memory_space<semaphore_mem>>) src(%arg17 : memref<64x128xf32, #tpu.memory_space<vmem>>) dst(%dma_wait3A_874 : memref<64x128xf32, #tpu.memory_space<hbm>>)
      } else {
      }
      %add3A_716 = arith.constant 4 : i32
      %add3A_717 = arith.addi %add3A_568, %add3A_716 : i32
      %mul3A_718 = arith.constant 64 : i32
      %mul3A_719 = arith.muli %add3A_717, %mul3A_718 : i32
      %dma_start3A_720 = tpu.memref_slice %arg9[%mul3A_719] : memref<8192xi32, #tpu.memory_space<vmem>> -> memref<64xi32, #tpu.memory_space<vmem>>
      %dma_start3A_721 = arith.constant 0 : i32
      %dma_start3A_722 = arith.constant 0 : i32
      %dma_start3A_723 = tpu.memref_slice %arg18[%dma_start3A_721, %dma_start3A_722] : memref<4128x128xf32, #tpu.memory_space<vmem_shared>> -> memref<4128x128xf32, #tpu.memory_space<vmem_shared>>
      tpu.enqueue_indirect_dma source(%dma_start3A_723 : memref<4128x128xf32, #tpu.memory_space<vmem_shared>>) target(%arg17 : memref<64x128xf32, #tpu.memory_space<vmem>>) offsets(%dma_start3A_720 : memref<64xi32, #tpu.memory_space<vmem>>) semaphore(%arg26 : memref<!tpu.dma_semaphore, #tpu.memory_space<semaphore_mem>>)
      %mul3A_724 = arith.constant 8 : i32
      %mul3A_725 = arith.muli %scan3A_94, %mul3A_724 : i32
      %add3A_726 = arith.constant 4 : i32
      %add3A_727 = arith.addi %mul3A_725, %add3A_726 : i32
      %add3A_728 = arith.constant 1 : i32
      %add3A_729 = arith.addi %scan3A_94, %add3A_728 : i32
      %lt3A_730 = arith.constant 16 : i32
      %lt3A_731 = arith.cmpi slt, %add3A_729, %lt3A_730 : i32
      %convert_element_type3A_732 = arith.extui %lt3A_731 : i1 to i32
      %cond3A_733 = arith.constant 0 : i32
      %cond3A_734 = arith.cmpi ne, %convert_element_type3A_732, %cond3A_733 : i32
      scf.if %cond3A_734 {
        %add3A_869 = arith.constant 4 : i32
        %add3A_870 = arith.addi %add3A_727, %add3A_869 : i32
        %shift_right_arithmetic3A_871 = arith.constant 3 : i32
        %shift_right_arithmetic3A_872 = arith.shrsi %add3A_870, %shift_right_arithmetic3A_871 : i32
        %and3A_873 = arith.constant 7 : i32
        %and3A_874 = arith.andi %add3A_870, %and3A_873 : i32
        %mul3A_875 = arith.constant 16 : i32
        %mul3A_876 = arith.muli %and3A_874, %mul3A_875 : i32
        %get3A_877 = arith.index_cast %shift_right_arithmetic3A_872 : i32 to index
        %get3A_878 = arith.index_cast %mul3A_876 : i32 to index
        %get3A_879 = tpu.vector_load %arg6[%get3A_877, %get3A_878] {strides = array<i32>} : memref<16x128xf32, #tpu.memory_space<vmem>>, vector<1x16xf32>,
        %get3A_880 = vector.shape_cast %get3A_879 : vector<1x16xf32> to vector<16xf32>
        %mul3A_881 = arith.constant 16 : i32
        %mul3A_882 = arith.muli %and3A_874, %mul3A_881 : i32
        %get3A_883 = arith.index_cast %shift_right_arithmetic3A_872 : i32 to index
        %get3A_884 = arith.index_cast %mul3A_882 : i32 to index
        %get3A_885 = tpu.vector_load %arg7[%get3A_883, %get3A_884] {strides = array<i32>} : memref<16x128xf32, #tpu.memory_space<vmem>>, vector<1x16xf32>,
        %get3A_886 = vector.shape_cast %get3A_885 : vector<1x16xf32> to vector<16xf32>
        %lt3A_887 = arith.constant 0.000000e+00 : f32
        %lt3A_888 = vector.broadcast %lt3A_887 : f32 to vector<16xf32>
        %lt3A_889 = arith.cmpf olt, %get3A_880, %lt3A_888 : vector<16xf32>
        %mul3A_890 = arith.constant 1.024000e+03 : f32
        %mul3A_891 = vector.broadcast %mul3A_890 : f32 to vector<16xf32>
        %mul3A_892 = arith.mulf %mul3A_891, %get3A_880 : vector<16xf32>
        %div3A_893 = arith.divf %mul3A_892, %gather3A_26 : vector<16xf32>
        %convert_element_type3A_894 = arith.fptosi %div3A_893 : vector<16xf32> to vector<16xi32>
        %jit3A_895 = arith.constant 0 : i32
        %jit3A_896 = arith.constant 1023 : i32
        %max3A_897 = vector.broadcast %jit3A_895 : i32 to vector<16xi32>
        %max3A_898 = arith.maxsi %max3A_897, %convert_element_type3A_894 : vector<16xi32>
        %min3A_899 = vector.broadcast %jit3A_896 : i32 to vector<16xi32>
        %min3A_900 = arith.minsi %min3A_899, %max3A_898 : vector<16xi32>
        %mul3A_901 = arith.constant 1.024000e+03 : f32
        %mul3A_902 = vector.broadcast %mul3A_901 : f32 to vector<16xf32>
        %mul3A_903 = arith.mulf %mul3A_902, %get3A_886 : vector<16xf32>
        %div3A_904 = arith.divf %mul3A_903, %gather3A_31 : vector<16xf32>
        %convert_element_type3A_905 = arith.fptosi %div3A_904 : vector<16xf32> to vector<16xi32>
        %jit3A_906 = arith.constant 0 : i32
        %jit3A_907 = arith.constant 1023 : i32
        %max3A_908 = vector.broadcast %jit3A_906 : i32 to vector<16xi32>
        %max3A_909 = arith.maxsi %max3A_908, %convert_element_type3A_905 : vector<16xi32>
        %min3A_910 = vector.broadcast %jit3A_907 : i32 to vector<16xi32>
        %min3A_911 = arith.minsi %min3A_910, %max3A_909 : vector<16xi32>
        %add3A_912 = arith.constant 1032 : i32
        %add3A_913 = vector.broadcast %add3A_912 : i32 to vector<16xi32>
        %add3A_914 = arith.addi %min3A_911, %add3A_913 : vector<16xi32>
        %select_n3A_915 = arith.select %lt3A_889, %broadcast_in_dim3A_18, %min3A_900 : vector<16xi1>, vector<16xi32>
        %select_n3A_916 = arith.select %lt3A_889, %broadcast_in_dim3A_20, %add3A_914 : vector<16xi1>, vector<16xi32>
        %mul3A_917 = arith.constant 4 : i32
        %mul3A_918 = arith.muli %add3A_870, %mul3A_917 : i32
        %mul3A_919 = arith.constant 16 : i32
        %mul3A_920 = arith.muli %mul3A_918, %mul3A_919 : i32
        %broadcast_in_dim3A_921 = vector.shape_cast %and3A_7 : vector<16xi32> to vector<16x1xi32>
        %gather3A_922 = vector.shape_cast %broadcast_in_dim3A_921 : vector<16x1xi32> to vector<16xi32>
        %gather3A_923 = tpu.dynamic_gather %select_n3A_915[%gather3A_922] in [0] : vector<16xi32>, vector<16xi32> -> vector<16xi32>
        %shift_right_arithmetic3A_924 = arith.constant 3 : i32
        %shift_right_arithmetic3A_925 = vector.broadcast %shift_right_arithmetic3A_924 : i32 to vector<16xi32>
        %shift_right_arithmetic3A_926 = arith.shrsi %gather3A_923, %shift_right_arithmetic3A_925 : vector<16xi32>
        %shift_left3A_927 = arith.constant 4 : i32
        %shift_left3A_928 = vector.broadcast %shift_left3A_927 : i32 to vector<16xi32>
        %shift_left3A_929 = arith.shli %shift_right_arithmetic3A_926, %shift_left3A_928 : vector<16xi32>
        %add3A_930 = arith.addi %shift_left3A_929, %shift_left3A_17 : vector<16xi32>
        %and3A_931 = arith.constant 7 : i32
        %and3A_932 = vector.broadcast %and3A_931 : i32 to vector<16xi32>
        %and3A_933 = arith.andi %gather3A_923, %and3A_932 : vector<16xi32>
        %add3A_934 = arith.addi %add3A_930, %and3A_933 : vector<16xi32>
        %swap3A_935 = arith.index_cast %mul3A_920 : i32 to index
        %swap3A_936 = tpu.vector_load %arg9[%swap3A_935] {strides = array<i32>} : memref<8192xi32, #tpu.memory_space<vmem>>, vector<16xi32>,
        %swap3A_937 = vector.shape_cast %swap3A_936 : vector<16xi32> to vector<16xi32>
        %swap3A_938 = vector.shape_cast %add3A_934 : vector<16xi32> to vector<16xi32>
        tpu.vector_store %arg9[%swap3A_935], %swap3A_938 {strides = array<i32>} : memref<8192xi32, #tpu.memory_space<vmem>>, vector<16xi32>,
        %broadcast_in_dim3A_939 = vector.shape_cast %and3A_7 : vector<16xi32> to vector<16x1xi32>
        %gather3A_940 = vector.shape_cast %broadcast_in_dim3A_939 : vector<16x1xi32> to vector<16xi32>
        %gather3A_941 = tpu.dynamic_gather %select_n3A_916[%gather3A_940] in [0] : vector<16xi32>, vector<16xi32> -> vector<16xi32>
        %shift_right_arithmetic3A_942 = arith.constant 3 : i32
        %shift_right_arithmetic3A_943 = vector.broadcast %shift_right_arithmetic3A_942 : i32 to vector<16xi32>
        %shift_right_arithmetic3A_944 = arith.shrsi %gather3A_941, %shift_right_arithmetic3A_943 : vector<16xi32>
        %shift_left3A_945 = arith.constant 4 : i32
        %shift_left3A_946 = vector.broadcast %shift_left3A_945 : i32 to vector<16xi32>
        %shift_left3A_947 = arith.shli %shift_right_arithmetic3A_944, %shift_left3A_946 : vector<16xi32>
        %add3A_948 = arith.addi %shift_left3A_947, %shift_left3A_17 : vector<16xi32>
        %and3A_949 = arith.constant 7 : i32
        %and3A_950 = vector.broadcast %and3A_949 : i32 to vector<16xi32>
        %and3A_951 = arith.andi %gather3A_941, %and3A_950 : vector<16xi32>
        %add3A_952 = arith.addi %add3A_948, %and3A_951 : vector<16xi32>
        %add3A_953 = arith.constant 16 : i32
        %add3A_954 = arith.addi %mul3A_920, %add3A_953 : i32
        %swap3A_955 = arith.index_cast %add3A_954 : i32 to index
        %swap3A_956 = tpu.vector_load %arg9[%swap3A_955] {strides = array<i32>} : memref<8192xi32, #tpu.memory_space<vmem>>, vector<16xi32>,
        %swap3A_957 = vector.shape_cast %swap3A_956 : vector<16xi32> to vector<16xi32>
        %swap3A_958 = vector.shape_cast %add3A_952 : vector<16xi32> to vector<16xi32>
        tpu.vector_store %arg9[%swap3A_955], %swap3A_958 {strides = array<i32>} : memref<8192xi32, #tpu.memory_space<vmem>>, vector<16xi32>,
        %broadcast_in_dim3A_959 = vector.shape_cast %add3A_10 : vector<16xi32> to vector<16x1xi32>
        %gather3A_960 = vector.shape_cast %broadcast_in_dim3A_959 : vector<16x1xi32> to vector<16xi32>
        %gather3A_961 = tpu.dynamic_gather %select_n3A_915[%gather3A_960] in [0] : vector<16xi32>, vector<16xi32> -> vector<16xi32>
        %shift_right_arithmetic3A_962 = arith.constant 3 : i32
        %shift_right_arithmetic3A_963 = vector.broadcast %shift_right_arithmetic3A_962 : i32 to vector<16xi32>
        %shift_right_arithmetic3A_964 = arith.shrsi %gather3A_961, %shift_right_arithmetic3A_963 : vector<16xi32>
        %shift_left3A_965 = arith.constant 4 : i32
        %shift_left3A_966 = vector.broadcast %shift_left3A_965 : i32 to vector<16xi32>
        %shift_left3A_967 = arith.shli %shift_right_arithmetic3A_964, %shift_left3A_966 : vector<16xi32>
        %add3A_968 = arith.addi %shift_left3A_967, %shift_left3A_17 : vector<16xi32>
        %and3A_969 = arith.constant 7 : i32
        %and3A_970 = vector.broadcast %and3A_969 : i32 to vector<16xi32>
        %and3A_971 = arith.andi %gather3A_961, %and3A_970 : vector<16xi32>
        %add3A_972 = arith.addi %add3A_968, %and3A_971 : vector<16xi32>
        %add3A_973 = arith.constant 32 : i32
        %add3A_974 = arith.addi %mul3A_920, %add3A_973 : i32
        %swap3A_975 = arith.index_cast %add3A_974 : i32 to index
        %swap3A_976 = tpu.vector_load %arg9[%swap3A_975] {strides = array<i32>} : memref<8192xi32, #tpu.memory_space<vmem>>, vector<16xi32>,
        %swap3A_977 = vector.shape_cast %swap3A_976 : vector<16xi32> to vector<16xi32>
        %swap3A_978 = vector.shape_cast %add3A_972 : vector<16xi32> to vector<16xi32>
        tpu.vector_store %arg9[%swap3A_975], %swap3A_978 {strides = array<i32>} : memref<8192xi32, #tpu.memory_space<vmem>>, vector<16xi32>,
        %broadcast_in_dim3A_979 = vector.shape_cast %add3A_10 : vector<16xi32> to vector<16x1xi32>
        %gather3A_980 = vector.shape_cast %broadcast_in_dim3A_979 : vector<16x1xi32> to vector<16xi32>
        %gather3A_981 = tpu.dynamic_gather %select_n3A_916[%gather3A_980] in [0] : vector<16xi32>, vector<16xi32> -> vector<16xi32>
        %shift_right_arithmetic3A_982 = arith.constant 3 : i32
        %shift_right_arithmetic3A_983 = vector.broadcast %shift_right_arithmetic3A_982 : i32 to vector<16xi32>
        %shift_right_arithmetic3A_984 = arith.shrsi %gather3A_981, %shift_right_arithmetic3A_983 : vector<16xi32>
        %shift_left3A_985 = arith.constant 4 : i32
        %shift_left3A_986 = vector.broadcast %shift_left3A_985 : i32 to vector<16xi32>
        %shift_left3A_987 = arith.shli %shift_right_arithmetic3A_984, %shift_left3A_986 : vector<16xi32>
        %add3A_988 = arith.addi %shift_left3A_987, %shift_left3A_17 : vector<16xi32>
        %and3A_989 = arith.constant 7 : i32
        %and3A_990 = vector.broadcast %and3A_989 : i32 to vector<16xi32>
        %and3A_991 = arith.andi %gather3A_981, %and3A_990 : vector<16xi32>
        %add3A_992 = arith.addi %add3A_988, %and3A_991 : vector<16xi32>
        %add3A_993 = arith.constant 48 : i32
        %add3A_994 = arith.addi %mul3A_920, %add3A_993 : i32
        %swap3A_995 = arith.index_cast %add3A_994 : i32 to index
        %swap3A_996 = tpu.vector_load %arg9[%swap3A_995] {strides = array<i32>} : memref<8192xi32, #tpu.memory_space<vmem>>, vector<16xi32>,
        %swap3A_997 = vector.shape_cast %swap3A_996 : vector<16xi32> to vector<16xi32>
        %swap3A_998 = vector.shape_cast %add3A_992 : vector<16xi32> to vector<16xi32>
        tpu.vector_store %arg9[%swap3A_995], %swap3A_998 {strides = array<i32>} : memref<8192xi32, #tpu.memory_space<vmem>>, vector<16xi32>,
      } else {
      }
      %dma_wait3A_735 = arith.constant 0 : i32
      %dma_wait3A_736 = tpu.memref_slice %arg9[%dma_wait3A_735] : memref<8192xi32, #tpu.memory_space<vmem>> -> memref<64xi32, #tpu.memory_space<vmem>>
      %dma_wait3A_737 = arith.constant 0 : i32
      %dma_wait3A_738 = arith.constant 0 : i32
      %dma_wait3A_739 = tpu.memref_slice %arg18[%dma_wait3A_737, %dma_wait3A_738] : memref<4128x128xf32, #tpu.memory_space<vmem_shared>> -> memref<4128x128xf32, #tpu.memory_space<vmem_shared>>
      tpu.wait_indirect_dma semaphore(%arg23 : memref<!tpu.dma_semaphore, #tpu.memory_space<semaphore_mem>>) src(%dma_wait3A_739 : memref<4128x128xf32, #tpu.memory_space<vmem_shared>>) dst(%arg14 : memref<64x128xf32, #tpu.memory_space<vmem>>)
      %mul3A_740 = arith.constant 64 : i32
      %mul3A_741 = arith.muli %add3A_727, %mul3A_740 : i32
      %add3A_742 = arith.addi %mul3A_44, %mul3A_741 : i32
      %dma_start3A_743 = arith.constant 0 : i32
      %dma_start3A_744 = tpu.memref_slice %arg5[%add3A_742, %dma_start3A_743] : memref<262144x128xf32, #tpu.memory_space<hbm>> -> memref<64x128xf32, #tpu.memory_space<hbm>>
      %dma_start3A_745 = arith.constant 0 : i32
      %dma_start3A_746 = tpu.memref_slice %arg5[%add3A_742, %dma_start3A_745] : memref<262144x128xf32, #tpu.memory_space<hbm>> -> memref<64x128xf32, #tpu.memory_space<hbm>>
      tpu.enqueue_dma source(%arg14 : memref<64x128xf32, #tpu.memory_space<vmem>>) target(%dma_start3A_746 : memref<64x128xf32, #tpu.memory_space<hbm>>) target_semaphore(%arg31 : memref<!tpu.dma_semaphore, #tpu.memory_space<semaphore_mem>>)
      %add3A_747 = arith.constant 0 : i32
      %add3A_748 = arith.addi %mul3A_44, %add3A_747 : i32
      %dma_wait3A_749 = arith.constant 0 : i32
      %dma_wait3A_750 = tpu.memref_slice %arg5[%add3A_748, %dma_wait3A_749] : memref<262144x128xf32, #tpu.memory_space<hbm>> -> memref<64x128xf32, #tpu.memory_space<hbm>>
      %dma_wait3A_751 = arith.constant 0 : i32
      %dma_wait3A_752 = tpu.memref_slice %arg5[%add3A_748, %dma_wait3A_751] : memref<262144x128xf32, #tpu.memory_space<hbm>> -> memref<64x128xf32, #tpu.memory_space<hbm>>
      tpu.wait_dma2 semaphore(%arg27 : memref<!tpu.dma_semaphore, #tpu.memory_space<semaphore_mem>>) src(%arg10 : memref<64x128xf32, #tpu.memory_space<vmem>>) dst(%dma_wait3A_752 : memref<64x128xf32, #tpu.memory_space<hbm>>)
      %add3A_753 = arith.constant 1 : i32
      %add3A_754 = arith.addi %scan3A_94, %add3A_753 : i32
      %lt3A_755 = arith.constant 16 : i32
      %lt3A_756 = arith.cmpi slt, %add3A_754, %lt3A_755 : i32
      %convert_element_type3A_757 = arith.extui %lt3A_756 : i1 to i32
      %cond3A_758 = arith.constant 0 : i32
      %cond3A_759 = arith.cmpi ne, %convert_element_type3A_757, %cond3A_758 : i32
      scf.if %cond3A_759 {
        %add3A_869 = arith.constant 4 : i32
        %add3A_870 = arith.addi %add3A_727, %add3A_869 : i32
        %mul3A_871 = arith.constant 64 : i32
        %mul3A_872 = arith.muli %add3A_870, %mul3A_871 : i32
        %dma_start3A_873 = tpu.memref_slice %arg9[%mul3A_872] : memref<8192xi32, #tpu.memory_space<vmem>> -> memref<64xi32, #tpu.memory_space<vmem>>
        %dma_start3A_874 = arith.constant 0 : i32
        %dma_start3A_875 = arith.constant 0 : i32
        %dma_start3A_876 = tpu.memref_slice %arg18[%dma_start3A_874, %dma_start3A_875] : memref<4128x128xf32, #tpu.memory_space<vmem_shared>> -> memref<4128x128xf32, #tpu.memory_space<vmem_shared>>
        tpu.enqueue_indirect_dma source(%dma_start3A_876 : memref<4128x128xf32, #tpu.memory_space<vmem_shared>>) target(%arg10 : memref<64x128xf32, #tpu.memory_space<vmem>>) offsets(%dma_start3A_873 : memref<64xi32, #tpu.memory_space<vmem>>) semaphore(%arg19 : memref<!tpu.dma_semaphore, #tpu.memory_space<semaphore_mem>>)
      } else {
      }
      %mul3A_760 = arith.constant 8 : i32
      %mul3A_761 = arith.muli %scan3A_94, %mul3A_760 : i32
      %add3A_762 = arith.constant 5 : i32
      %add3A_763 = arith.addi %mul3A_761, %add3A_762 : i32
      %add3A_764 = arith.constant 1 : i32
      %add3A_765 = arith.addi %scan3A_94, %add3A_764 : i32
      %lt3A_766 = arith.constant 16 : i32
      %lt3A_767 = arith.cmpi slt, %add3A_765, %lt3A_766 : i32
      %convert_element_type3A_768 = arith.extui %lt3A_767 : i1 to i32
      %cond3A_769 = arith.constant 0 : i32
      %cond3A_770 = arith.cmpi ne, %convert_element_type3A_768, %cond3A_769 : i32
      scf.if %cond3A_770 {
        %add3A_869 = arith.constant 4 : i32
        %add3A_870 = arith.addi %add3A_763, %add3A_869 : i32
        %shift_right_arithmetic3A_871 = arith.constant 3 : i32
        %shift_right_arithmetic3A_872 = arith.shrsi %add3A_870, %shift_right_arithmetic3A_871 : i32
        %and3A_873 = arith.constant 7 : i32
        %and3A_874 = arith.andi %add3A_870, %and3A_873 : i32
        %mul3A_875 = arith.constant 16 : i32
        %mul3A_876 = arith.muli %and3A_874, %mul3A_875 : i32
        %get3A_877 = arith.index_cast %shift_right_arithmetic3A_872 : i32 to index
        %get3A_878 = arith.index_cast %mul3A_876 : i32 to index
        %get3A_879 = tpu.vector_load %arg6[%get3A_877, %get3A_878] {strides = array<i32>} : memref<16x128xf32, #tpu.memory_space<vmem>>, vector<1x16xf32>,
        %get3A_880 = vector.shape_cast %get3A_879 : vector<1x16xf32> to vector<16xf32>
        %mul3A_881 = arith.constant 16 : i32
        %mul3A_882 = arith.muli %and3A_874, %mul3A_881 : i32
        %get3A_883 = arith.index_cast %shift_right_arithmetic3A_872 : i32 to index
        %get3A_884 = arith.index_cast %mul3A_882 : i32 to index
        %get3A_885 = tpu.vector_load %arg7[%get3A_883, %get3A_884] {strides = array<i32>} : memref<16x128xf32, #tpu.memory_space<vmem>>, vector<1x16xf32>,
        %get3A_886 = vector.shape_cast %get3A_885 : vector<1x16xf32> to vector<16xf32>
        %lt3A_887 = arith.constant 0.000000e+00 : f32
        %lt3A_888 = vector.broadcast %lt3A_887 : f32 to vector<16xf32>
        %lt3A_889 = arith.cmpf olt, %get3A_880, %lt3A_888 : vector<16xf32>
        %mul3A_890 = arith.constant 1.024000e+03 : f32
        %mul3A_891 = vector.broadcast %mul3A_890 : f32 to vector<16xf32>
        %mul3A_892 = arith.mulf %mul3A_891, %get3A_880 : vector<16xf32>
        %div3A_893 = arith.divf %mul3A_892, %gather3A_26 : vector<16xf32>
        %convert_element_type3A_894 = arith.fptosi %div3A_893 : vector<16xf32> to vector<16xi32>
        %jit3A_895 = arith.constant 0 : i32
        %jit3A_896 = arith.constant 1023 : i32
        %max3A_897 = vector.broadcast %jit3A_895 : i32 to vector<16xi32>
        %max3A_898 = arith.maxsi %max3A_897, %convert_element_type3A_894 : vector<16xi32>
        %min3A_899 = vector.broadcast %jit3A_896 : i32 to vector<16xi32>
        %min3A_900 = arith.minsi %min3A_899, %max3A_898 : vector<16xi32>
        %mul3A_901 = arith.constant 1.024000e+03 : f32
        %mul3A_902 = vector.broadcast %mul3A_901 : f32 to vector<16xf32>
        %mul3A_903 = arith.mulf %mul3A_902, %get3A_886 : vector<16xf32>
        %div3A_904 = arith.divf %mul3A_903, %gather3A_31 : vector<16xf32>
        %convert_element_type3A_905 = arith.fptosi %div3A_904 : vector<16xf32> to vector<16xi32>
        %jit3A_906 = arith.constant 0 : i32
        %jit3A_907 = arith.constant 1023 : i32
        %max3A_908 = vector.broadcast %jit3A_906 : i32 to vector<16xi32>
        %max3A_909 = arith.maxsi %max3A_908, %convert_element_type3A_905 : vector<16xi32>
        %min3A_910 = vector.broadcast %jit3A_907 : i32 to vector<16xi32>
        %min3A_911 = arith.minsi %min3A_910, %max3A_909 : vector<16xi32>
        %add3A_912 = arith.constant 1032 : i32
        %add3A_913 = vector.broadcast %add3A_912 : i32 to vector<16xi32>
        %add3A_914 = arith.addi %min3A_911, %add3A_913 : vector<16xi32>
        %select_n3A_915 = arith.select %lt3A_889, %broadcast_in_dim3A_18, %min3A_900 : vector<16xi1>, vector<16xi32>
        %select_n3A_916 = arith.select %lt3A_889, %broadcast_in_dim3A_20, %add3A_914 : vector<16xi1>, vector<16xi32>
        %mul3A_917 = arith.constant 4 : i32
        %mul3A_918 = arith.muli %add3A_870, %mul3A_917 : i32
        %mul3A_919 = arith.constant 16 : i32
        %mul3A_920 = arith.muli %mul3A_918, %mul3A_919 : i32
        %broadcast_in_dim3A_921 = vector.shape_cast %and3A_7 : vector<16xi32> to vector<16x1xi32>
        %gather3A_922 = vector.shape_cast %broadcast_in_dim3A_921 : vector<16x1xi32> to vector<16xi32>
        %gather3A_923 = tpu.dynamic_gather %select_n3A_915[%gather3A_922] in [0] : vector<16xi32>, vector<16xi32> -> vector<16xi32>
        %shift_right_arithmetic3A_924 = arith.constant 3 : i32
        %shift_right_arithmetic3A_925 = vector.broadcast %shift_right_arithmetic3A_924 : i32 to vector<16xi32>
        %shift_right_arithmetic3A_926 = arith.shrsi %gather3A_923, %shift_right_arithmetic3A_925 : vector<16xi32>
        %shift_left3A_927 = arith.constant 4 : i32
        %shift_left3A_928 = vector.broadcast %shift_left3A_927 : i32 to vector<16xi32>
        %shift_left3A_929 = arith.shli %shift_right_arithmetic3A_926, %shift_left3A_928 : vector<16xi32>
        %add3A_930 = arith.addi %shift_left3A_929, %shift_left3A_17 : vector<16xi32>
        %and3A_931 = arith.constant 7 : i32
        %and3A_932 = vector.broadcast %and3A_931 : i32 to vector<16xi32>
        %and3A_933 = arith.andi %gather3A_923, %and3A_932 : vector<16xi32>
        %add3A_934 = arith.addi %add3A_930, %and3A_933 : vector<16xi32>
        %swap3A_935 = arith.index_cast %mul3A_920 : i32 to index
        %swap3A_936 = tpu.vector_load %arg9[%swap3A_935] {strides = array<i32>} : memref<8192xi32, #tpu.memory_space<vmem>>, vector<16xi32>,
        %swap3A_937 = vector.shape_cast %swap3A_936 : vector<16xi32> to vector<16xi32>
        %swap3A_938 = vector.shape_cast %add3A_934 : vector<16xi32> to vector<16xi32>
        tpu.vector_store %arg9[%swap3A_935], %swap3A_938 {strides = array<i32>} : memref<8192xi32, #tpu.memory_space<vmem>>, vector<16xi32>,
        %broadcast_in_dim3A_939 = vector.shape_cast %and3A_7 : vector<16xi32> to vector<16x1xi32>
        %gather3A_940 = vector.shape_cast %broadcast_in_dim3A_939 : vector<16x1xi32> to vector<16xi32>
        %gather3A_941 = tpu.dynamic_gather %select_n3A_916[%gather3A_940] in [0] : vector<16xi32>, vector<16xi32> -> vector<16xi32>
        %shift_right_arithmetic3A_942 = arith.constant 3 : i32
        %shift_right_arithmetic3A_943 = vector.broadcast %shift_right_arithmetic3A_942 : i32 to vector<16xi32>
        %shift_right_arithmetic3A_944 = arith.shrsi %gather3A_941, %shift_right_arithmetic3A_943 : vector<16xi32>
        %shift_left3A_945 = arith.constant 4 : i32
        %shift_left3A_946 = vector.broadcast %shift_left3A_945 : i32 to vector<16xi32>
        %shift_left3A_947 = arith.shli %shift_right_arithmetic3A_944, %shift_left3A_946 : vector<16xi32>
        %add3A_948 = arith.addi %shift_left3A_947, %shift_left3A_17 : vector<16xi32>
        %and3A_949 = arith.constant 7 : i32
        %and3A_950 = vector.broadcast %and3A_949 : i32 to vector<16xi32>
        %and3A_951 = arith.andi %gather3A_941, %and3A_950 : vector<16xi32>
        %add3A_952 = arith.addi %add3A_948, %and3A_951 : vector<16xi32>
        %add3A_953 = arith.constant 16 : i32
        %add3A_954 = arith.addi %mul3A_920, %add3A_953 : i32
        %swap3A_955 = arith.index_cast %add3A_954 : i32 to index
        %swap3A_956 = tpu.vector_load %arg9[%swap3A_955] {strides = array<i32>} : memref<8192xi32, #tpu.memory_space<vmem>>, vector<16xi32>,
        %swap3A_957 = vector.shape_cast %swap3A_956 : vector<16xi32> to vector<16xi32>
        %swap3A_958 = vector.shape_cast %add3A_952 : vector<16xi32> to vector<16xi32>
        tpu.vector_store %arg9[%swap3A_955], %swap3A_958 {strides = array<i32>} : memref<8192xi32, #tpu.memory_space<vmem>>, vector<16xi32>,
        %broadcast_in_dim3A_959 = vector.shape_cast %add3A_10 : vector<16xi32> to vector<16x1xi32>
        %gather3A_960 = vector.shape_cast %broadcast_in_dim3A_959 : vector<16x1xi32> to vector<16xi32>
        %gather3A_961 = tpu.dynamic_gather %select_n3A_915[%gather3A_960] in [0] : vector<16xi32>, vector<16xi32> -> vector<16xi32>
        %shift_right_arithmetic3A_962 = arith.constant 3 : i32
        %shift_right_arithmetic3A_963 = vector.broadcast %shift_right_arithmetic3A_962 : i32 to vector<16xi32>
        %shift_right_arithmetic3A_964 = arith.shrsi %gather3A_961, %shift_right_arithmetic3A_963 : vector<16xi32>
        %shift_left3A_965 = arith.constant 4 : i32
        %shift_left3A_966 = vector.broadcast %shift_left3A_965 : i32 to vector<16xi32>
        %shift_left3A_967 = arith.shli %shift_right_arithmetic3A_964, %shift_left3A_966 : vector<16xi32>
        %add3A_968 = arith.addi %shift_left3A_967, %shift_left3A_17 : vector<16xi32>
        %and3A_969 = arith.constant 7 : i32
        %and3A_970 = vector.broadcast %and3A_969 : i32 to vector<16xi32>
        %and3A_971 = arith.andi %gather3A_961, %and3A_970 : vector<16xi32>
        %add3A_972 = arith.addi %add3A_968, %and3A_971 : vector<16xi32>
        %add3A_973 = arith.constant 32 : i32
        %add3A_974 = arith.addi %mul3A_920, %add3A_973 : i32
        %swap3A_975 = arith.index_cast %add3A_974 : i32 to index
        %swap3A_976 = tpu.vector_load %arg9[%swap3A_975] {strides = array<i32>} : memref<8192xi32, #tpu.memory_space<vmem>>, vector<16xi32>,
        %swap3A_977 = vector.shape_cast %swap3A_976 : vector<16xi32> to vector<16xi32>
        %swap3A_978 = vector.shape_cast %add3A_972 : vector<16xi32> to vector<16xi32>
        tpu.vector_store %arg9[%swap3A_975], %swap3A_978 {strides = array<i32>} : memref<8192xi32, #tpu.memory_space<vmem>>, vector<16xi32>,
        %broadcast_in_dim3A_979 = vector.shape_cast %add3A_10 : vector<16xi32> to vector<16x1xi32>
        %gather3A_980 = vector.shape_cast %broadcast_in_dim3A_979 : vector<16x1xi32> to vector<16xi32>
        %gather3A_981 = tpu.dynamic_gather %select_n3A_916[%gather3A_980] in [0] : vector<16xi32>, vector<16xi32> -> vector<16xi32>
        %shift_right_arithmetic3A_982 = arith.constant 3 : i32
        %shift_right_arithmetic3A_983 = vector.broadcast %shift_right_arithmetic3A_982 : i32 to vector<16xi32>
        %shift_right_arithmetic3A_984 = arith.shrsi %gather3A_981, %shift_right_arithmetic3A_983 : vector<16xi32>
        %shift_left3A_985 = arith.constant 4 : i32
        %shift_left3A_986 = vector.broadcast %shift_left3A_985 : i32 to vector<16xi32>
        %shift_left3A_987 = arith.shli %shift_right_arithmetic3A_984, %shift_left3A_986 : vector<16xi32>
        %add3A_988 = arith.addi %shift_left3A_987, %shift_left3A_17 : vector<16xi32>
        %and3A_989 = arith.constant 7 : i32
        %and3A_990 = vector.broadcast %and3A_989 : i32 to vector<16xi32>
        %and3A_991 = arith.andi %gather3A_981, %and3A_990 : vector<16xi32>
        %add3A_992 = arith.addi %add3A_988, %and3A_991 : vector<16xi32>
        %add3A_993 = arith.constant 48 : i32
        %add3A_994 = arith.addi %mul3A_920, %add3A_993 : i32
        %swap3A_995 = arith.index_cast %add3A_994 : i32 to index
        %swap3A_996 = tpu.vector_load %arg9[%swap3A_995] {strides = array<i32>} : memref<8192xi32, #tpu.memory_space<vmem>>, vector<16xi32>,
        %swap3A_997 = vector.shape_cast %swap3A_996 : vector<16xi32> to vector<16xi32>
        %swap3A_998 = vector.shape_cast %add3A_992 : vector<16xi32> to vector<16xi32>
        tpu.vector_store %arg9[%swap3A_995], %swap3A_998 {strides = array<i32>} : memref<8192xi32, #tpu.memory_space<vmem>>, vector<16xi32>,
      } else {
      }
      %dma_wait3A_771 = arith.constant 0 : i32
      %dma_wait3A_772 = tpu.memref_slice %arg9[%dma_wait3A_771] : memref<8192xi32, #tpu.memory_space<vmem>> -> memref<64xi32, #tpu.memory_space<vmem>>
      %dma_wait3A_773 = arith.constant 0 : i32
      %dma_wait3A_774 = arith.constant 0 : i32
      %dma_wait3A_775 = tpu.memref_slice %arg18[%dma_wait3A_773, %dma_wait3A_774] : memref<4128x128xf32, #tpu.memory_space<vmem_shared>> -> memref<4128x128xf32, #tpu.memory_space<vmem_shared>>
      tpu.wait_indirect_dma semaphore(%arg24 : memref<!tpu.dma_semaphore, #tpu.memory_space<semaphore_mem>>) src(%dma_wait3A_775 : memref<4128x128xf32, #tpu.memory_space<vmem_shared>>) dst(%arg15 : memref<64x128xf32, #tpu.memory_space<vmem>>)
      %mul3A_776 = arith.constant 64 : i32
      %mul3A_777 = arith.muli %add3A_763, %mul3A_776 : i32
      %add3A_778 = arith.addi %mul3A_44, %mul3A_777 : i32
      %dma_start3A_779 = arith.constant 0 : i32
      %dma_start3A_780 = tpu.memref_slice %arg5[%add3A_778, %dma_start3A_779] : memref<262144x128xf32, #tpu.memory_space<hbm>> -> memref<64x128xf32, #tpu.memory_space<hbm>>
      %dma_start3A_781 = arith.constant 0 : i32
      %dma_start3A_782 = tpu.memref_slice %arg5[%add3A_778, %dma_start3A_781] : memref<262144x128xf32, #tpu.memory_space<hbm>> -> memref<64x128xf32, #tpu.memory_space<hbm>>
      tpu.enqueue_dma source(%arg15 : memref<64x128xf32, #tpu.memory_space<vmem>>) target(%dma_start3A_782 : memref<64x128xf32, #tpu.memory_space<hbm>>) target_semaphore(%arg32 : memref<!tpu.dma_semaphore, #tpu.memory_space<semaphore_mem>>)
      %add3A_783 = arith.constant 0 : i32
      %add3A_784 = arith.addi %mul3A_44, %add3A_783 : i32
      %dma_wait3A_785 = arith.constant 0 : i32
      %dma_wait3A_786 = tpu.memref_slice %arg5[%add3A_784, %dma_wait3A_785] : memref<262144x128xf32, #tpu.memory_space<hbm>> -> memref<64x128xf32, #tpu.memory_space<hbm>>
      %dma_wait3A_787 = arith.constant 0 : i32
      %dma_wait3A_788 = tpu.memref_slice %arg5[%add3A_784, %dma_wait3A_787] : memref<262144x128xf32, #tpu.memory_space<hbm>> -> memref<64x128xf32, #tpu.memory_space<hbm>>
      tpu.wait_dma2 semaphore(%arg28 : memref<!tpu.dma_semaphore, #tpu.memory_space<semaphore_mem>>) src(%arg11 : memref<64x128xf32, #tpu.memory_space<vmem>>) dst(%dma_wait3A_788 : memref<64x128xf32, #tpu.memory_space<hbm>>)
      %add3A_789 = arith.constant 1 : i32
      %add3A_790 = arith.addi %scan3A_94, %add3A_789 : i32
      %lt3A_791 = arith.constant 16 : i32
      %lt3A_792 = arith.cmpi slt, %add3A_790, %lt3A_791 : i32
      %convert_element_type3A_793 = arith.extui %lt3A_792 : i1 to i32
      %cond3A_794 = arith.constant 0 : i32
      %cond3A_795 = arith.cmpi ne, %convert_element_type3A_793, %cond3A_794 : i32
      scf.if %cond3A_795 {
        %add3A_869 = arith.constant 4 : i32
        %add3A_870 = arith.addi %add3A_763, %add3A_869 : i32
        %mul3A_871 = arith.constant 64 : i32
        %mul3A_872 = arith.muli %add3A_870, %mul3A_871 : i32
        %dma_start3A_873 = tpu.memref_slice %arg9[%mul3A_872] : memref<8192xi32, #tpu.memory_space<vmem>> -> memref<64xi32, #tpu.memory_space<vmem>>
        %dma_start3A_874 = arith.constant 0 : i32
        %dma_start3A_875 = arith.constant 0 : i32
        %dma_start3A_876 = tpu.memref_slice %arg18[%dma_start3A_874, %dma_start3A_875] : memref<4128x128xf32, #tpu.memory_space<vmem_shared>> -> memref<4128x128xf32, #tpu.memory_space<vmem_shared>>
        tpu.enqueue_indirect_dma source(%dma_start3A_876 : memref<4128x128xf32, #tpu.memory_space<vmem_shared>>) target(%arg11 : memref<64x128xf32, #tpu.memory_space<vmem>>) offsets(%dma_start3A_873 : memref<64xi32, #tpu.memory_space<vmem>>) semaphore(%arg20 : memref<!tpu.dma_semaphore, #tpu.memory_space<semaphore_mem>>)
      } else {
      }
      %mul3A_796 = arith.constant 8 : i32
      %mul3A_797 = arith.muli %scan3A_94, %mul3A_796 : i32
      %add3A_798 = arith.constant 6 : i32
      %add3A_799 = arith.addi %mul3A_797, %add3A_798 : i32
      %add3A_800 = arith.constant 1 : i32
      %add3A_801 = arith.addi %scan3A_94, %add3A_800 : i32
      %lt3A_802 = arith.constant 16 : i32
      %lt3A_803 = arith.cmpi slt, %add3A_801, %lt3A_802 : i32
      %convert_element_type3A_804 = arith.extui %lt3A_803 : i1 to i32
      %cond3A_805 = arith.constant 0 : i32
      %cond3A_806 = arith.cmpi ne, %convert_element_type3A_804, %cond3A_805 : i32
      scf.if %cond3A_806 {
        %add3A_869 = arith.constant 4 : i32
        %add3A_870 = arith.addi %add3A_799, %add3A_869 : i32
        %shift_right_arithmetic3A_871 = arith.constant 3 : i32
        %shift_right_arithmetic3A_872 = arith.shrsi %add3A_870, %shift_right_arithmetic3A_871 : i32
        %and3A_873 = arith.constant 7 : i32
        %and3A_874 = arith.andi %add3A_870, %and3A_873 : i32
        %mul3A_875 = arith.constant 16 : i32
        %mul3A_876 = arith.muli %and3A_874, %mul3A_875 : i32
        %get3A_877 = arith.index_cast %shift_right_arithmetic3A_872 : i32 to index
        %get3A_878 = arith.index_cast %mul3A_876 : i32 to index
        %get3A_879 = tpu.vector_load %arg6[%get3A_877, %get3A_878] {strides = array<i32>} : memref<16x128xf32, #tpu.memory_space<vmem>>, vector<1x16xf32>,
        %get3A_880 = vector.shape_cast %get3A_879 : vector<1x16xf32> to vector<16xf32>
        %mul3A_881 = arith.constant 16 : i32
        %mul3A_882 = arith.muli %and3A_874, %mul3A_881 : i32
        %get3A_883 = arith.index_cast %shift_right_arithmetic3A_872 : i32 to index
        %get3A_884 = arith.index_cast %mul3A_882 : i32 to index
        %get3A_885 = tpu.vector_load %arg7[%get3A_883, %get3A_884] {strides = array<i32>} : memref<16x128xf32, #tpu.memory_space<vmem>>, vector<1x16xf32>,
        %get3A_886 = vector.shape_cast %get3A_885 : vector<1x16xf32> to vector<16xf32>
        %lt3A_887 = arith.constant 0.000000e+00 : f32
        %lt3A_888 = vector.broadcast %lt3A_887 : f32 to vector<16xf32>
        %lt3A_889 = arith.cmpf olt, %get3A_880, %lt3A_888 : vector<16xf32>
        %mul3A_890 = arith.constant 1.024000e+03 : f32
        %mul3A_891 = vector.broadcast %mul3A_890 : f32 to vector<16xf32>
        %mul3A_892 = arith.mulf %mul3A_891, %get3A_880 : vector<16xf32>
        %div3A_893 = arith.divf %mul3A_892, %gather3A_26 : vector<16xf32>
        %convert_element_type3A_894 = arith.fptosi %div3A_893 : vector<16xf32> to vector<16xi32>
        %jit3A_895 = arith.constant 0 : i32
        %jit3A_896 = arith.constant 1023 : i32
        %max3A_897 = vector.broadcast %jit3A_895 : i32 to vector<16xi32>
        %max3A_898 = arith.maxsi %max3A_897, %convert_element_type3A_894 : vector<16xi32>
        %min3A_899 = vector.broadcast %jit3A_896 : i32 to vector<16xi32>
        %min3A_900 = arith.minsi %min3A_899, %max3A_898 : vector<16xi32>
        %mul3A_901 = arith.constant 1.024000e+03 : f32
        %mul3A_902 = vector.broadcast %mul3A_901 : f32 to vector<16xf32>
        %mul3A_903 = arith.mulf %mul3A_902, %get3A_886 : vector<16xf32>
        %div3A_904 = arith.divf %mul3A_903, %gather3A_31 : vector<16xf32>
        %convert_element_type3A_905 = arith.fptosi %div3A_904 : vector<16xf32> to vector<16xi32>
        %jit3A_906 = arith.constant 0 : i32
        %jit3A_907 = arith.constant 1023 : i32
        %max3A_908 = vector.broadcast %jit3A_906 : i32 to vector<16xi32>
        %max3A_909 = arith.maxsi %max3A_908, %convert_element_type3A_905 : vector<16xi32>
        %min3A_910 = vector.broadcast %jit3A_907 : i32 to vector<16xi32>
        %min3A_911 = arith.minsi %min3A_910, %max3A_909 : vector<16xi32>
        %add3A_912 = arith.constant 1032 : i32
        %add3A_913 = vector.broadcast %add3A_912 : i32 to vector<16xi32>
        %add3A_914 = arith.addi %min3A_911, %add3A_913 : vector<16xi32>
        %select_n3A_915 = arith.select %lt3A_889, %broadcast_in_dim3A_18, %min3A_900 : vector<16xi1>, vector<16xi32>
        %select_n3A_916 = arith.select %lt3A_889, %broadcast_in_dim3A_20, %add3A_914 : vector<16xi1>, vector<16xi32>
        %mul3A_917 = arith.constant 4 : i32
        %mul3A_918 = arith.muli %add3A_870, %mul3A_917 : i32
        %mul3A_919 = arith.constant 16 : i32
        %mul3A_920 = arith.muli %mul3A_918, %mul3A_919 : i32
        %broadcast_in_dim3A_921 = vector.shape_cast %and3A_7 : vector<16xi32> to vector<16x1xi32>
        %gather3A_922 = vector.shape_cast %broadcast_in_dim3A_921 : vector<16x1xi32> to vector<16xi32>
        %gather3A_923 = tpu.dynamic_gather %select_n3A_915[%gather3A_922] in [0] : vector<16xi32>, vector<16xi32> -> vector<16xi32>
        %shift_right_arithmetic3A_924 = arith.constant 3 : i32
        %shift_right_arithmetic3A_925 = vector.broadcast %shift_right_arithmetic3A_924 : i32 to vector<16xi32>
        %shift_right_arithmetic3A_926 = arith.shrsi %gather3A_923, %shift_right_arithmetic3A_925 : vector<16xi32>
        %shift_left3A_927 = arith.constant 4 : i32
        %shift_left3A_928 = vector.broadcast %shift_left3A_927 : i32 to vector<16xi32>
        %shift_left3A_929 = arith.shli %shift_right_arithmetic3A_926, %shift_left3A_928 : vector<16xi32>
        %add3A_930 = arith.addi %shift_left3A_929, %shift_left3A_17 : vector<16xi32>
        %and3A_931 = arith.constant 7 : i32
        %and3A_932 = vector.broadcast %and3A_931 : i32 to vector<16xi32>
        %and3A_933 = arith.andi %gather3A_923, %and3A_932 : vector<16xi32>
        %add3A_934 = arith.addi %add3A_930, %and3A_933 : vector<16xi32>
        %swap3A_935 = arith.index_cast %mul3A_920 : i32 to index
        %swap3A_936 = tpu.vector_load %arg9[%swap3A_935] {strides = array<i32>} : memref<8192xi32, #tpu.memory_space<vmem>>, vector<16xi32>,
        %swap3A_937 = vector.shape_cast %swap3A_936 : vector<16xi32> to vector<16xi32>
        %swap3A_938 = vector.shape_cast %add3A_934 : vector<16xi32> to vector<16xi32>
        tpu.vector_store %arg9[%swap3A_935], %swap3A_938 {strides = array<i32>} : memref<8192xi32, #tpu.memory_space<vmem>>, vector<16xi32>,
        %broadcast_in_dim3A_939 = vector.shape_cast %and3A_7 : vector<16xi32> to vector<16x1xi32>
        %gather3A_940 = vector.shape_cast %broadcast_in_dim3A_939 : vector<16x1xi32> to vector<16xi32>
        %gather3A_941 = tpu.dynamic_gather %select_n3A_916[%gather3A_940] in [0] : vector<16xi32>, vector<16xi32> -> vector<16xi32>
        %shift_right_arithmetic3A_942 = arith.constant 3 : i32
        %shift_right_arithmetic3A_943 = vector.broadcast %shift_right_arithmetic3A_942 : i32 to vector<16xi32>
        %shift_right_arithmetic3A_944 = arith.shrsi %gather3A_941, %shift_right_arithmetic3A_943 : vector<16xi32>
        %shift_left3A_945 = arith.constant 4 : i32
        %shift_left3A_946 = vector.broadcast %shift_left3A_945 : i32 to vector<16xi32>
        %shift_left3A_947 = arith.shli %shift_right_arithmetic3A_944, %shift_left3A_946 : vector<16xi32>
        %add3A_948 = arith.addi %shift_left3A_947, %shift_left3A_17 : vector<16xi32>
        %and3A_949 = arith.constant 7 : i32
        %and3A_950 = vector.broadcast %and3A_949 : i32 to vector<16xi32>
        %and3A_951 = arith.andi %gather3A_941, %and3A_950 : vector<16xi32>
        %add3A_952 = arith.addi %add3A_948, %and3A_951 : vector<16xi32>
        %add3A_953 = arith.constant 16 : i32
        %add3A_954 = arith.addi %mul3A_920, %add3A_953 : i32
        %swap3A_955 = arith.index_cast %add3A_954 : i32 to index
        %swap3A_956 = tpu.vector_load %arg9[%swap3A_955] {strides = array<i32>} : memref<8192xi32, #tpu.memory_space<vmem>>, vector<16xi32>,
        %swap3A_957 = vector.shape_cast %swap3A_956 : vector<16xi32> to vector<16xi32>
        %swap3A_958 = vector.shape_cast %add3A_952 : vector<16xi32> to vector<16xi32>
        tpu.vector_store %arg9[%swap3A_955], %swap3A_958 {strides = array<i32>} : memref<8192xi32, #tpu.memory_space<vmem>>, vector<16xi32>,
        %broadcast_in_dim3A_959 = vector.shape_cast %add3A_10 : vector<16xi32> to vector<16x1xi32>
        %gather3A_960 = vector.shape_cast %broadcast_in_dim3A_959 : vector<16x1xi32> to vector<16xi32>
        %gather3A_961 = tpu.dynamic_gather %select_n3A_915[%gather3A_960] in [0] : vector<16xi32>, vector<16xi32> -> vector<16xi32>
        %shift_right_arithmetic3A_962 = arith.constant 3 : i32
        %shift_right_arithmetic3A_963 = vector.broadcast %shift_right_arithmetic3A_962 : i32 to vector<16xi32>
        %shift_right_arithmetic3A_964 = arith.shrsi %gather3A_961, %shift_right_arithmetic3A_963 : vector<16xi32>
        %shift_left3A_965 = arith.constant 4 : i32
        %shift_left3A_966 = vector.broadcast %shift_left3A_965 : i32 to vector<16xi32>
        %shift_left3A_967 = arith.shli %shift_right_arithmetic3A_964, %shift_left3A_966 : vector<16xi32>
        %add3A_968 = arith.addi %shift_left3A_967, %shift_left3A_17 : vector<16xi32>
        %and3A_969 = arith.constant 7 : i32
        %and3A_970 = vector.broadcast %and3A_969 : i32 to vector<16xi32>
        %and3A_971 = arith.andi %gather3A_961, %and3A_970 : vector<16xi32>
        %add3A_972 = arith.addi %add3A_968, %and3A_971 : vector<16xi32>
        %add3A_973 = arith.constant 32 : i32
        %add3A_974 = arith.addi %mul3A_920, %add3A_973 : i32
        %swap3A_975 = arith.index_cast %add3A_974 : i32 to index
        %swap3A_976 = tpu.vector_load %arg9[%swap3A_975] {strides = array<i32>} : memref<8192xi32, #tpu.memory_space<vmem>>, vector<16xi32>,
        %swap3A_977 = vector.shape_cast %swap3A_976 : vector<16xi32> to vector<16xi32>
        %swap3A_978 = vector.shape_cast %add3A_972 : vector<16xi32> to vector<16xi32>
        tpu.vector_store %arg9[%swap3A_975], %swap3A_978 {strides = array<i32>} : memref<8192xi32, #tpu.memory_space<vmem>>, vector<16xi32>,
        %broadcast_in_dim3A_979 = vector.shape_cast %add3A_10 : vector<16xi32> to vector<16x1xi32>
        %gather3A_980 = vector.shape_cast %broadcast_in_dim3A_979 : vector<16x1xi32> to vector<16xi32>
        %gather3A_981 = tpu.dynamic_gather %select_n3A_916[%gather3A_980] in [0] : vector<16xi32>, vector<16xi32> -> vector<16xi32>
        %shift_right_arithmetic3A_982 = arith.constant 3 : i32
        %shift_right_arithmetic3A_983 = vector.broadcast %shift_right_arithmetic3A_982 : i32 to vector<16xi32>
        %shift_right_arithmetic3A_984 = arith.shrsi %gather3A_981, %shift_right_arithmetic3A_983 : vector<16xi32>
        %shift_left3A_985 = arith.constant 4 : i32
        %shift_left3A_986 = vector.broadcast %shift_left3A_985 : i32 to vector<16xi32>
        %shift_left3A_987 = arith.shli %shift_right_arithmetic3A_984, %shift_left3A_986 : vector<16xi32>
        %add3A_988 = arith.addi %shift_left3A_987, %shift_left3A_17 : vector<16xi32>
        %and3A_989 = arith.constant 7 : i32
        %and3A_990 = vector.broadcast %and3A_989 : i32 to vector<16xi32>
        %and3A_991 = arith.andi %gather3A_981, %and3A_990 : vector<16xi32>
        %add3A_992 = arith.addi %add3A_988, %and3A_991 : vector<16xi32>
        %add3A_993 = arith.constant 48 : i32
        %add3A_994 = arith.addi %mul3A_920, %add3A_993 : i32
        %swap3A_995 = arith.index_cast %add3A_994 : i32 to index
        %swap3A_996 = tpu.vector_load %arg9[%swap3A_995] {strides = array<i32>} : memref<8192xi32, #tpu.memory_space<vmem>>, vector<16xi32>,
        %swap3A_997 = vector.shape_cast %swap3A_996 : vector<16xi32> to vector<16xi32>
        %swap3A_998 = vector.shape_cast %add3A_992 : vector<16xi32> to vector<16xi32>
        tpu.vector_store %arg9[%swap3A_995], %swap3A_998 {strides = array<i32>} : memref<8192xi32, #tpu.memory_space<vmem>>, vector<16xi32>,
      } else {
      }
      %dma_wait3A_807 = arith.constant 0 : i32
      %dma_wait3A_808 = tpu.memref_slice %arg9[%dma_wait3A_807] : memref<8192xi32, #tpu.memory_space<vmem>> -> memref<64xi32, #tpu.memory_space<vmem>>
      %dma_wait3A_809 = arith.constant 0 : i32
      %dma_wait3A_810 = arith.constant 0 : i32
      %dma_wait3A_811 = tpu.memref_slice %arg18[%dma_wait3A_809, %dma_wait3A_810] : memref<4128x128xf32, #tpu.memory_space<vmem_shared>> -> memref<4128x128xf32, #tpu.memory_space<vmem_shared>>
      tpu.wait_indirect_dma semaphore(%arg25 : memref<!tpu.dma_semaphore, #tpu.memory_space<semaphore_mem>>) src(%dma_wait3A_811 : memref<4128x128xf32, #tpu.memory_space<vmem_shared>>) dst(%arg16 : memref<64x128xf32, #tpu.memory_space<vmem>>)
      %mul3A_812 = arith.constant 64 : i32
      %mul3A_813 = arith.muli %add3A_799, %mul3A_812 : i32
      %add3A_814 = arith.addi %mul3A_44, %mul3A_813 : i32
      %dma_start3A_815 = arith.constant 0 : i32
      %dma_start3A_816 = tpu.memref_slice %arg5[%add3A_814, %dma_start3A_815] : memref<262144x128xf32, #tpu.memory_space<hbm>> -> memref<64x128xf32, #tpu.memory_space<hbm>>
      %dma_start3A_817 = arith.constant 0 : i32
      %dma_start3A_818 = tpu.memref_slice %arg5[%add3A_814, %dma_start3A_817] : memref<262144x128xf32, #tpu.memory_space<hbm>> -> memref<64x128xf32, #tpu.memory_space<hbm>>
      tpu.enqueue_dma source(%arg16 : memref<64x128xf32, #tpu.memory_space<vmem>>) target(%dma_start3A_818 : memref<64x128xf32, #tpu.memory_space<hbm>>) target_semaphore(%arg33 : memref<!tpu.dma_semaphore, #tpu.memory_space<semaphore_mem>>)
      %add3A_819 = arith.constant 0 : i32
      %add3A_820 = arith.addi %mul3A_44, %add3A_819 : i32
      %dma_wait3A_821 = arith.constant 0 : i32
      %dma_wait3A_822 = tpu.memref_slice %arg5[%add3A_820, %dma_wait3A_821] : memref<262144x128xf32, #tpu.memory_space<hbm>> -> memref<64x128xf32, #tpu.memory_space<hbm>>
      %dma_wait3A_823 = arith.constant 0 : i32
      %dma_wait3A_824 = tpu.memref_slice %arg5[%add3A_820, %dma_wait3A_823] : memref<262144x128xf32, #tpu.memory_space<hbm>> -> memref<64x128xf32, #tpu.memory_space<hbm>>
      tpu.wait_dma2 semaphore(%arg29 : memref<!tpu.dma_semaphore, #tpu.memory_space<semaphore_mem>>) src(%arg12 : memref<64x128xf32, #tpu.memory_space<vmem>>) dst(%dma_wait3A_824 : memref<64x128xf32, #tpu.memory_space<hbm>>)
      %add3A_825 = arith.constant 1 : i32
      %add3A_826 = arith.addi %scan3A_94, %add3A_825 : i32
      %lt3A_827 = arith.constant 16 : i32
      %lt3A_828 = arith.cmpi slt, %add3A_826, %lt3A_827 : i32
      %convert_element_type3A_829 = arith.extui %lt3A_828 : i1 to i32
      %cond3A_830 = arith.constant 0 : i32
      %cond3A_831 = arith.cmpi ne, %convert_element_type3A_829, %cond3A_830 : i32
      scf.if %cond3A_831 {
        %add3A_869 = arith.constant 4 : i32
        %add3A_870 = arith.addi %add3A_799, %add3A_869 : i32
        %mul3A_871 = arith.constant 64 : i32
        %mul3A_872 = arith.muli %add3A_870, %mul3A_871 : i32
        %dma_start3A_873 = tpu.memref_slice %arg9[%mul3A_872] : memref<8192xi32, #tpu.memory_space<vmem>> -> memref<64xi32, #tpu.memory_space<vmem>>
        %dma_start3A_874 = arith.constant 0 : i32
        %dma_start3A_875 = arith.constant 0 : i32
        %dma_start3A_876 = tpu.memref_slice %arg18[%dma_start3A_874, %dma_start3A_875] : memref<4128x128xf32, #tpu.memory_space<vmem_shared>> -> memref<4128x128xf32, #tpu.memory_space<vmem_shared>>
        tpu.enqueue_indirect_dma source(%dma_start3A_876 : memref<4128x128xf32, #tpu.memory_space<vmem_shared>>) target(%arg12 : memref<64x128xf32, #tpu.memory_space<vmem>>) offsets(%dma_start3A_873 : memref<64xi32, #tpu.memory_space<vmem>>) semaphore(%arg21 : memref<!tpu.dma_semaphore, #tpu.memory_space<semaphore_mem>>)
      } else {
      }
      %mul3A_832 = arith.constant 8 : i32
      %mul3A_833 = arith.muli %scan3A_94, %mul3A_832 : i32
      %add3A_834 = arith.constant 7 : i32
      %add3A_835 = arith.addi %mul3A_833, %add3A_834 : i32
      %add3A_836 = arith.constant 1 : i32
      %add3A_837 = arith.addi %scan3A_94, %add3A_836 : i32
      %lt3A_838 = arith.constant 16 : i32
      %lt3A_839 = arith.cmpi slt, %add3A_837, %lt3A_838 : i32
      %convert_element_type3A_840 = arith.extui %lt3A_839 : i1 to i32
      %cond3A_841 = arith.constant 0 : i32
      %cond3A_842 = arith.cmpi ne, %convert_element_type3A_840, %cond3A_841 : i32
      scf.if %cond3A_842 {
        %add3A_869 = arith.constant 4 : i32
        %add3A_870 = arith.addi %add3A_835, %add3A_869 : i32
        %shift_right_arithmetic3A_871 = arith.constant 3 : i32
        %shift_right_arithmetic3A_872 = arith.shrsi %add3A_870, %shift_right_arithmetic3A_871 : i32
        %and3A_873 = arith.constant 7 : i32
        %and3A_874 = arith.andi %add3A_870, %and3A_873 : i32
        %mul3A_875 = arith.constant 16 : i32
        %mul3A_876 = arith.muli %and3A_874, %mul3A_875 : i32
        %get3A_877 = arith.index_cast %shift_right_arithmetic3A_872 : i32 to index
        %get3A_878 = arith.index_cast %mul3A_876 : i32 to index
        %get3A_879 = tpu.vector_load %arg6[%get3A_877, %get3A_878] {strides = array<i32>} : memref<16x128xf32, #tpu.memory_space<vmem>>, vector<1x16xf32>,
        %get3A_880 = vector.shape_cast %get3A_879 : vector<1x16xf32> to vector<16xf32>
        %mul3A_881 = arith.constant 16 : i32
        %mul3A_882 = arith.muli %and3A_874, %mul3A_881 : i32
        %get3A_883 = arith.index_cast %shift_right_arithmetic3A_872 : i32 to index
        %get3A_884 = arith.index_cast %mul3A_882 : i32 to index
        %get3A_885 = tpu.vector_load %arg7[%get3A_883, %get3A_884] {strides = array<i32>} : memref<16x128xf32, #tpu.memory_space<vmem>>, vector<1x16xf32>,
        %get3A_886 = vector.shape_cast %get3A_885 : vector<1x16xf32> to vector<16xf32>
        %lt3A_887 = arith.constant 0.000000e+00 : f32
        %lt3A_888 = vector.broadcast %lt3A_887 : f32 to vector<16xf32>
        %lt3A_889 = arith.cmpf olt, %get3A_880, %lt3A_888 : vector<16xf32>
        %mul3A_890 = arith.constant 1.024000e+03 : f32
        %mul3A_891 = vector.broadcast %mul3A_890 : f32 to vector<16xf32>
        %mul3A_892 = arith.mulf %mul3A_891, %get3A_880 : vector<16xf32>
        %div3A_893 = arith.divf %mul3A_892, %gather3A_26 : vector<16xf32>
        %convert_element_type3A_894 = arith.fptosi %div3A_893 : vector<16xf32> to vector<16xi32>
        %jit3A_895 = arith.constant 0 : i32
        %jit3A_896 = arith.constant 1023 : i32
        %max3A_897 = vector.broadcast %jit3A_895 : i32 to vector<16xi32>
        %max3A_898 = arith.maxsi %max3A_897, %convert_element_type3A_894 : vector<16xi32>
        %min3A_899 = vector.broadcast %jit3A_896 : i32 to vector<16xi32>
        %min3A_900 = arith.minsi %min3A_899, %max3A_898 : vector<16xi32>
        %mul3A_901 = arith.constant 1.024000e+03 : f32
        %mul3A_902 = vector.broadcast %mul3A_901 : f32 to vector<16xf32>
        %mul3A_903 = arith.mulf %mul3A_902, %get3A_886 : vector<16xf32>
        %div3A_904 = arith.divf %mul3A_903, %gather3A_31 : vector<16xf32>
        %convert_element_type3A_905 = arith.fptosi %div3A_904 : vector<16xf32> to vector<16xi32>
        %jit3A_906 = arith.constant 0 : i32
        %jit3A_907 = arith.constant 1023 : i32
        %max3A_908 = vector.broadcast %jit3A_906 : i32 to vector<16xi32>
        %max3A_909 = arith.maxsi %max3A_908, %convert_element_type3A_905 : vector<16xi32>
        %min3A_910 = vector.broadcast %jit3A_907 : i32 to vector<16xi32>
        %min3A_911 = arith.minsi %min3A_910, %max3A_909 : vector<16xi32>
        %add3A_912 = arith.constant 1032 : i32
        %add3A_913 = vector.broadcast %add3A_912 : i32 to vector<16xi32>
        %add3A_914 = arith.addi %min3A_911, %add3A_913 : vector<16xi32>
        %select_n3A_915 = arith.select %lt3A_889, %broadcast_in_dim3A_18, %min3A_900 : vector<16xi1>, vector<16xi32>
        %select_n3A_916 = arith.select %lt3A_889, %broadcast_in_dim3A_20, %add3A_914 : vector<16xi1>, vector<16xi32>
        %mul3A_917 = arith.constant 4 : i32
        %mul3A_918 = arith.muli %add3A_870, %mul3A_917 : i32
        %mul3A_919 = arith.constant 16 : i32
        %mul3A_920 = arith.muli %mul3A_918, %mul3A_919 : i32
        %broadcast_in_dim3A_921 = vector.shape_cast %and3A_7 : vector<16xi32> to vector<16x1xi32>
        %gather3A_922 = vector.shape_cast %broadcast_in_dim3A_921 : vector<16x1xi32> to vector<16xi32>
        %gather3A_923 = tpu.dynamic_gather %select_n3A_915[%gather3A_922] in [0] : vector<16xi32>, vector<16xi32> -> vector<16xi32>
        %shift_right_arithmetic3A_924 = arith.constant 3 : i32
        %shift_right_arithmetic3A_925 = vector.broadcast %shift_right_arithmetic3A_924 : i32 to vector<16xi32>
        %shift_right_arithmetic3A_926 = arith.shrsi %gather3A_923, %shift_right_arithmetic3A_925 : vector<16xi32>
        %shift_left3A_927 = arith.constant 4 : i32
        %shift_left3A_928 = vector.broadcast %shift_left3A_927 : i32 to vector<16xi32>
        %shift_left3A_929 = arith.shli %shift_right_arithmetic3A_926, %shift_left3A_928 : vector<16xi32>
        %add3A_930 = arith.addi %shift_left3A_929, %shift_left3A_17 : vector<16xi32>
        %and3A_931 = arith.constant 7 : i32
        %and3A_932 = vector.broadcast %and3A_931 : i32 to vector<16xi32>
        %and3A_933 = arith.andi %gather3A_923, %and3A_932 : vector<16xi32>
        %add3A_934 = arith.addi %add3A_930, %and3A_933 : vector<16xi32>
        %swap3A_935 = arith.index_cast %mul3A_920 : i32 to index
        %swap3A_936 = tpu.vector_load %arg9[%swap3A_935] {strides = array<i32>} : memref<8192xi32, #tpu.memory_space<vmem>>, vector<16xi32>,
        %swap3A_937 = vector.shape_cast %swap3A_936 : vector<16xi32> to vector<16xi32>
        %swap3A_938 = vector.shape_cast %add3A_934 : vector<16xi32> to vector<16xi32>
        tpu.vector_store %arg9[%swap3A_935], %swap3A_938 {strides = array<i32>} : memref<8192xi32, #tpu.memory_space<vmem>>, vector<16xi32>,
        %broadcast_in_dim3A_939 = vector.shape_cast %and3A_7 : vector<16xi32> to vector<16x1xi32>
        %gather3A_940 = vector.shape_cast %broadcast_in_dim3A_939 : vector<16x1xi32> to vector<16xi32>
        %gather3A_941 = tpu.dynamic_gather %select_n3A_916[%gather3A_940] in [0] : vector<16xi32>, vector<16xi32> -> vector<16xi32>
        %shift_right_arithmetic3A_942 = arith.constant 3 : i32
        %shift_right_arithmetic3A_943 = vector.broadcast %shift_right_arithmetic3A_942 : i32 to vector<16xi32>
        %shift_right_arithmetic3A_944 = arith.shrsi %gather3A_941, %shift_right_arithmetic3A_943 : vector<16xi32>
        %shift_left3A_945 = arith.constant 4 : i32
        %shift_left3A_946 = vector.broadcast %shift_left3A_945 : i32 to vector<16xi32>
        %shift_left3A_947 = arith.shli %shift_right_arithmetic3A_944, %shift_left3A_946 : vector<16xi32>
        %add3A_948 = arith.addi %shift_left3A_947, %shift_left3A_17 : vector<16xi32>
        %and3A_949 = arith.constant 7 : i32
        %and3A_950 = vector.broadcast %and3A_949 : i32 to vector<16xi32>
        %and3A_951 = arith.andi %gather3A_941, %and3A_950 : vector<16xi32>
        %add3A_952 = arith.addi %add3A_948, %and3A_951 : vector<16xi32>
        %add3A_953 = arith.constant 16 : i32
        %add3A_954 = arith.addi %mul3A_920, %add3A_953 : i32
        %swap3A_955 = arith.index_cast %add3A_954 : i32 to index
        %swap3A_956 = tpu.vector_load %arg9[%swap3A_955] {strides = array<i32>} : memref<8192xi32, #tpu.memory_space<vmem>>, vector<16xi32>,
        %swap3A_957 = vector.shape_cast %swap3A_956 : vector<16xi32> to vector<16xi32>
        %swap3A_958 = vector.shape_cast %add3A_952 : vector<16xi32> to vector<16xi32>
        tpu.vector_store %arg9[%swap3A_955], %swap3A_958 {strides = array<i32>} : memref<8192xi32, #tpu.memory_space<vmem>>, vector<16xi32>,
        %broadcast_in_dim3A_959 = vector.shape_cast %add3A_10 : vector<16xi32> to vector<16x1xi32>
        %gather3A_960 = vector.shape_cast %broadcast_in_dim3A_959 : vector<16x1xi32> to vector<16xi32>
        %gather3A_961 = tpu.dynamic_gather %select_n3A_915[%gather3A_960] in [0] : vector<16xi32>, vector<16xi32> -> vector<16xi32>
        %shift_right_arithmetic3A_962 = arith.constant 3 : i32
        %shift_right_arithmetic3A_963 = vector.broadcast %shift_right_arithmetic3A_962 : i32 to vector<16xi32>
        %shift_right_arithmetic3A_964 = arith.shrsi %gather3A_961, %shift_right_arithmetic3A_963 : vector<16xi32>
        %shift_left3A_965 = arith.constant 4 : i32
        %shift_left3A_966 = vector.broadcast %shift_left3A_965 : i32 to vector<16xi32>
        %shift_left3A_967 = arith.shli %shift_right_arithmetic3A_964, %shift_left3A_966 : vector<16xi32>
        %add3A_968 = arith.addi %shift_left3A_967, %shift_left3A_17 : vector<16xi32>
        %and3A_969 = arith.constant 7 : i32
        %and3A_970 = vector.broadcast %and3A_969 : i32 to vector<16xi32>
        %and3A_971 = arith.andi %gather3A_961, %and3A_970 : vector<16xi32>
        %add3A_972 = arith.addi %add3A_968, %and3A_971 : vector<16xi32>
        %add3A_973 = arith.constant 32 : i32
        %add3A_974 = arith.addi %mul3A_920, %add3A_973 : i32
        %swap3A_975 = arith.index_cast %add3A_974 : i32 to index
        %swap3A_976 = tpu.vector_load %arg9[%swap3A_975] {strides = array<i32>} : memref<8192xi32, #tpu.memory_space<vmem>>, vector<16xi32>,
        %swap3A_977 = vector.shape_cast %swap3A_976 : vector<16xi32> to vector<16xi32>
        %swap3A_978 = vector.shape_cast %add3A_972 : vector<16xi32> to vector<16xi32>
        tpu.vector_store %arg9[%swap3A_975], %swap3A_978 {strides = array<i32>} : memref<8192xi32, #tpu.memory_space<vmem>>, vector<16xi32>,
        %broadcast_in_dim3A_979 = vector.shape_cast %add3A_10 : vector<16xi32> to vector<16x1xi32>
        %gather3A_980 = vector.shape_cast %broadcast_in_dim3A_979 : vector<16x1xi32> to vector<16xi32>
        %gather3A_981 = tpu.dynamic_gather %select_n3A_916[%gather3A_980] in [0] : vector<16xi32>, vector<16xi32> -> vector<16xi32>
        %shift_right_arithmetic3A_982 = arith.constant 3 : i32
        %shift_right_arithmetic3A_983 = vector.broadcast %shift_right_arithmetic3A_982 : i32 to vector<16xi32>
        %shift_right_arithmetic3A_984 = arith.shrsi %gather3A_981, %shift_right_arithmetic3A_983 : vector<16xi32>
        %shift_left3A_985 = arith.constant 4 : i32
        %shift_left3A_986 = vector.broadcast %shift_left3A_985 : i32 to vector<16xi32>
        %shift_left3A_987 = arith.shli %shift_right_arithmetic3A_984, %shift_left3A_986 : vector<16xi32>
        %add3A_988 = arith.addi %shift_left3A_987, %shift_left3A_17 : vector<16xi32>
        %and3A_989 = arith.constant 7 : i32
        %and3A_990 = vector.broadcast %and3A_989 : i32 to vector<16xi32>
        %and3A_991 = arith.andi %gather3A_981, %and3A_990 : vector<16xi32>
        %add3A_992 = arith.addi %add3A_988, %and3A_991 : vector<16xi32>
        %add3A_993 = arith.constant 48 : i32
        %add3A_994 = arith.addi %mul3A_920, %add3A_993 : i32
        %swap3A_995 = arith.index_cast %add3A_994 : i32 to index
        %swap3A_996 = tpu.vector_load %arg9[%swap3A_995] {strides = array<i32>} : memref<8192xi32, #tpu.memory_space<vmem>>, vector<16xi32>,
        %swap3A_997 = vector.shape_cast %swap3A_996 : vector<16xi32> to vector<16xi32>
        %swap3A_998 = vector.shape_cast %add3A_992 : vector<16xi32> to vector<16xi32>
        tpu.vector_store %arg9[%swap3A_995], %swap3A_998 {strides = array<i32>} : memref<8192xi32, #tpu.memory_space<vmem>>, vector<16xi32>,
      } else {
      }
      %dma_wait3A_843 = arith.constant 0 : i32
      %dma_wait3A_844 = tpu.memref_slice %arg9[%dma_wait3A_843] : memref<8192xi32, #tpu.memory_space<vmem>> -> memref<64xi32, #tpu.memory_space<vmem>>
      %dma_wait3A_845 = arith.constant 0 : i32
      %dma_wait3A_846 = arith.constant 0 : i32
      %dma_wait3A_847 = tpu.memref_slice %arg18[%dma_wait3A_845, %dma_wait3A_846] : memref<4128x128xf32, #tpu.memory_space<vmem_shared>> -> memref<4128x128xf32, #tpu.memory_space<vmem_shared>>
      tpu.wait_indirect_dma semaphore(%arg26 : memref<!tpu.dma_semaphore, #tpu.memory_space<semaphore_mem>>) src(%dma_wait3A_847 : memref<4128x128xf32, #tpu.memory_space<vmem_shared>>) dst(%arg17 : memref<64x128xf32, #tpu.memory_space<vmem>>)
      %mul3A_848 = arith.constant 64 : i32
      %mul3A_849 = arith.muli %add3A_835, %mul3A_848 : i32
      %add3A_850 = arith.addi %mul3A_44, %mul3A_849 : i32
      %dma_start3A_851 = arith.constant 0 : i32
      %dma_start3A_852 = tpu.memref_slice %arg5[%add3A_850, %dma_start3A_851] : memref<262144x128xf32, #tpu.memory_space<hbm>> -> memref<64x128xf32, #tpu.memory_space<hbm>>
      %dma_start3A_853 = arith.constant 0 : i32
      %dma_start3A_854 = tpu.memref_slice %arg5[%add3A_850, %dma_start3A_853] : memref<262144x128xf32, #tpu.memory_space<hbm>> -> memref<64x128xf32, #tpu.memory_space<hbm>>
      tpu.enqueue_dma source(%arg17 : memref<64x128xf32, #tpu.memory_space<vmem>>) target(%dma_start3A_854 : memref<64x128xf32, #tpu.memory_space<hbm>>) target_semaphore(%arg34 : memref<!tpu.dma_semaphore, #tpu.memory_space<semaphore_mem>>)
      %add3A_855 = arith.constant 0 : i32
      %add3A_856 = arith.addi %mul3A_44, %add3A_855 : i32
      %dma_wait3A_857 = arith.constant 0 : i32
      %dma_wait3A_858 = tpu.memref_slice %arg5[%add3A_856, %dma_wait3A_857] : memref<262144x128xf32, #tpu.memory_space<hbm>> -> memref<64x128xf32, #tpu.memory_space<hbm>>
      %dma_wait3A_859 = arith.constant 0 : i32
      %dma_wait3A_860 = tpu.memref_slice %arg5[%add3A_856, %dma_wait3A_859] : memref<262144x128xf32, #tpu.memory_space<hbm>> -> memref<64x128xf32, #tpu.memory_space<hbm>>
      tpu.wait_dma2 semaphore(%arg30 : memref<!tpu.dma_semaphore, #tpu.memory_space<semaphore_mem>>) src(%arg13 : memref<64x128xf32, #tpu.memory_space<vmem>>) dst(%dma_wait3A_860 : memref<64x128xf32, #tpu.memory_space<hbm>>)
      %add3A_861 = arith.constant 1 : i32
      %add3A_862 = arith.addi %scan3A_94, %add3A_861 : i32
      %lt3A_863 = arith.constant 16 : i32
      %lt3A_864 = arith.cmpi slt, %add3A_862, %lt3A_863 : i32
      %convert_element_type3A_865 = arith.extui %lt3A_864 : i1 to i32
      %cond3A_866 = arith.constant 0 : i32
      %cond3A_867 = arith.cmpi ne, %convert_element_type3A_865, %cond3A_866 : i32
      scf.if %cond3A_867 {
        %add3A_869 = arith.constant 4 : i32
        %add3A_870 = arith.addi %add3A_835, %add3A_869 : i32
        %mul3A_871 = arith.constant 64 : i32
        %mul3A_872 = arith.muli %add3A_870, %mul3A_871 : i32
        %dma_start3A_873 = tpu.memref_slice %arg9[%mul3A_872] : memref<8192xi32, #tpu.memory_space<vmem>> -> memref<64xi32, #tpu.memory_space<vmem>>
        %dma_start3A_874 = arith.constant 0 : i32
        %dma_start3A_875 = arith.constant 0 : i32
        %dma_start3A_876 = tpu.memref_slice %arg18[%dma_start3A_874, %dma_start3A_875] : memref<4128x128xf32, #tpu.memory_space<vmem_shared>> -> memref<4128x128xf32, #tpu.memory_space<vmem_shared>>
        tpu.enqueue_indirect_dma source(%dma_start3A_876 : memref<4128x128xf32, #tpu.memory_space<vmem_shared>>) target(%arg13 : memref<64x128xf32, #tpu.memory_space<vmem>>) offsets(%dma_start3A_873 : memref<64xi32, #tpu.memory_space<vmem>>) semaphore(%arg22 : memref<!tpu.dma_semaphore, #tpu.memory_space<semaphore_mem>>)
      } else {
      }
      %scan3A_868 = arith.constant 0 : i32
      scf.yield %scan3A_868 : i32
    }
    %scan3A_70 = arith.constant 16 : i32
    %add3A_71 = arith.constant 0 : i32
    %add3A_72 = arith.addi %mul3A_44, %add3A_71 : i32
    %dma_wait3A = arith.constant 0 : i32
    %dma_wait3A_73 = tpu.memref_slice %arg5[%add3A_72, %dma_wait3A] : memref<262144x128xf32, #tpu.memory_space<hbm>> -> memref<64x128xf32, #tpu.memory_space<hbm>>
    %dma_wait3A_74 = arith.constant 0 : i32
    %dma_wait3A_75 = tpu.memref_slice %arg5[%add3A_72, %dma_wait3A_74] : memref<262144x128xf32, #tpu.memory_space<hbm>> -> memref<64x128xf32, #tpu.memory_space<hbm>>
    tpu.wait_dma2 semaphore(%arg31 : memref<!tpu.dma_semaphore, #tpu.memory_space<semaphore_mem>>) src(%arg14 : memref<64x128xf32, #tpu.memory_space<vmem>>) dst(%dma_wait3A_75 : memref<64x128xf32, #tpu.memory_space<hbm>>)
    %add3A_76 = arith.constant 0 : i32
    %add3A_77 = arith.addi %mul3A_44, %add3A_76 : i32
    %dma_wait3A_78 = arith.constant 0 : i32
    %dma_wait3A_79 = tpu.memref_slice %arg5[%add3A_77, %dma_wait3A_78] : memref<262144x128xf32, #tpu.memory_space<hbm>> -> memref<64x128xf32, #tpu.memory_space<hbm>>
    %dma_wait3A_80 = arith.constant 0 : i32
    %dma_wait3A_81 = tpu.memref_slice %arg5[%add3A_77, %dma_wait3A_80] : memref<262144x128xf32, #tpu.memory_space<hbm>> -> memref<64x128xf32, #tpu.memory_space<hbm>>
    tpu.wait_dma2 semaphore(%arg32 : memref<!tpu.dma_semaphore, #tpu.memory_space<semaphore_mem>>) src(%arg15 : memref<64x128xf32, #tpu.memory_space<vmem>>) dst(%dma_wait3A_81 : memref<64x128xf32, #tpu.memory_space<hbm>>)
    %add3A_82 = arith.constant 0 : i32
    %add3A_83 = arith.addi %mul3A_44, %add3A_82 : i32
    %dma_wait3A_84 = arith.constant 0 : i32
    %dma_wait3A_85 = tpu.memref_slice %arg5[%add3A_83, %dma_wait3A_84] : memref<262144x128xf32, #tpu.memory_space<hbm>> -> memref<64x128xf32, #tpu.memory_space<hbm>>
    %dma_wait3A_86 = arith.constant 0 : i32
    %dma_wait3A_87 = tpu.memref_slice %arg5[%add3A_83, %dma_wait3A_86] : memref<262144x128xf32, #tpu.memory_space<hbm>> -> memref<64x128xf32, #tpu.memory_space<hbm>>
    tpu.wait_dma2 semaphore(%arg33 : memref<!tpu.dma_semaphore, #tpu.memory_space<semaphore_mem>>) src(%arg16 : memref<64x128xf32, #tpu.memory_space<vmem>>) dst(%dma_wait3A_87 : memref<64x128xf32, #tpu.memory_space<hbm>>)
    %add3A_88 = arith.constant 0 : i32
    %add3A_89 = arith.addi %mul3A_44, %add3A_88 : i32
    %dma_wait3A_90 = arith.constant 0 : i32
    %dma_wait3A_91 = tpu.memref_slice %arg5[%add3A_89, %dma_wait3A_90] : memref<262144x128xf32, #tpu.memory_space<hbm>> -> memref<64x128xf32, #tpu.memory_space<hbm>>
    %dma_wait3A_92 = arith.constant 0 : i32
    %dma_wait3A_93 = tpu.memref_slice %arg5[%add3A_89, %dma_wait3A_92] : memref<262144x128xf32, #tpu.memory_space<hbm>> -> memref<64x128xf32, #tpu.memory_space<hbm>>
    tpu.wait_dma2 semaphore(%arg34 : memref<!tpu.dma_semaphore, #tpu.memory_space<semaphore_mem>>) src(%arg17 : memref<64x128xf32, #tpu.memory_space<vmem>>) dst(%dma_wait3A_93 : memref<64x128xf32, #tpu.memory_space<hbm>>)
    return
  }
}

</mosaic_0001>

<sc_bundles>
// kernel: kernel.3.cloned.1.call-start
scs
__scs_entry_jumppad:
0x0: {  	(pc) =	sbr.rel $0x88, $3  }
0x1: {  	(tag) =	ssettag $0x0;
	lr =	simm.s32 $0x1  }
0x2: {  	[smem:$0x3F9D] =	sst lr;
	_ =	strace $0xD0000000  }
0x3: {  	_ = 	snop  }
0x4: {  	_ = 	snop  }
0x5: {  	_ = 	snop  }
0x6: {  	_ = 	snop  }
0x7: {  	_ = 	snop  }
__scs_overlays_trampoline_lowered:
0x8: {  	[smem:$0x3FAC] =	sst s0  }
0x9: {  	[smem:$0x3FAD] =	sst s1  }
0xa: {  	[smem:$0x3FAE] =	sst s2  }
0xb: {  	[smem:$0x3FAF] =	sst s3  }
0xc: {  	[smem:$0x3FB0] =	sst s4  }
0xd: {  	[smem:$0x3FB1] =	sst s5  }
0xe: {  	[smem:$0x3FB2] =	sst s6  }
0xf: {  	[smem:$0x3FB3] =	sst s7  }
0x10: {  	[smem:$0x3FB4] =	sst s8  }
0x11: {  	[smem:$0x3FB5] =	sst s9;
	s0 =	simm.s32 @!p0 $0x0  }
0x12: {  	s1 =	sld [smem:$0x3F9B];
	s0 =	simm.s32 @p0 $0x1  }
0x13: {  	[smem:$0x3FB6] =	sst s0;
	s0 =	simm.s32 @!p1 $0x0  }
0x14: {  	s2 =	sld [smem:$0x3F9A];
	s0 =	simm.s32 @p1 $0x1  }
0x15: {  	[smem:$0x3FB7] =	sst s0;
	s0 =	simm.s32 @!p2 $0x0  }
0x16: {  	s3 =	sld [smem:$0x3FDB];
	s0 =	simm.s32 @p2 $0x1  }
0x17: {  	s4 =	simm.s32 $0x1BF5;
	[smem:$0x3FB9] =	sst s0  }
0x18: {  	s0 =	sld [smem:$0x3F9C];
	_ =	swait.ge [sflag:s4], $0x0  }
0x19: {  	s7 =	sld [smem:$0x3F9D]  }
0x1a: {  	s8 =	sadd.s32 $0xFFFFE003, lr  }
0x1b: {  	s9 =	sadd.s32 $0xFFFFFEF7, lr;
	s5 =	simm.s32 $0xFFFFFFFF;
	p2 =	slt.u32 s8, $0xFFFFF086  }
0x1c: {  	p1 =	slt.u32 s9, $0xF7A;
	s5 =	simm.s32 @!p2 $0x0  }
0x1d: {  	s5 =	simm.s32 @p1 $0x1;
	p0 =	seq.s32 s7, s2  }
0x1e: {  	s7 =	smul.u32 @!p0 $0xF7A, s2;
	p2 =	seq.s32 @!p0 s5, $0x0  }
0x1f: {  	s9 =	smul.u32 $0xF7A, s1;
	s8 =	simm.s32 @!p0 $0x1BF5;
	p2 =	por !p2, p0  }
0x20: {  	[sflag:s8] =	ssyncset.s32 @!p0 $0xFFFFF086;
	s6 =	sadd.s32 @!p0 s3, s7;
	s7 =	simm.s32 @!p0 $0x108  }
0x21: {  	s3 =	sadd.s32 s3, s9;
	s6 =	sadd.s32 @!p0 $0x88, s6;
	s7 =	simm.s32 @p2 $0x1082  }
0x22: {  	[simem:s7], [sflag:s8] =	dma.local @!p0 [hbm:s6], $0xF7A  }
0x23: {  	s9 =	sor.u32 $0xD0000000, s2;
	s6 =	simm.s32 $0x108;
	_ =	swait.ge @!p0 [sflag:s8], $0x0  }
0x24: {  	s3 =	sadd.s32 $0x88, s3;
	s6 =	simm.s32 @!p1 $0x1082;
	[sflag:s4] =	ssyncset.s32 $0xFFFFF086  }
0x25: {  	[simem:s6], [sflag:s4] =	dma.local [hbm:s3], $0xF7A  }
0x26: {  	[smem:$0x3F9D] =	sst s1;
	(tag) =	ssettag s2;
	_ =	strace s9  }
0x27: {  	s1 =	sld [smem:$0x3FAD]  }
0x28: {  	s2 =	sld [smem:$0x3FAE]  }
0x29: {  	s4 =	sld [smem:$0x3FB0]  }
0x2a: {  	p0 =	seq.s32 s5, $0x0;
	s5 =	sld [smem:$0x3FB1]  }
0x2b: {  	s6 =	sld [smem:$0x3FB2]  }
0x2c: {  	s7 =	sld [smem:$0x3FB3]  }
0x2d: {  	s3 =	simm.s32 $0x108;
	s8 =	sld [smem:$0x3FB4]  }
0x2e: {  	s3 =	simm.s32 @!p0 $0x1082;
	s9 =	sld [smem:$0x3FB5]  }
0x2f: {  	lr =	sadd.s32 s0, s3;
	s0 =	sld [smem:$0x3FAC]  }
0x30: {  	s3 =	sld [smem:$0x3FAF]  }
0x31: {  	[smem:$0x3FB8] =	sst s10  }
0x32: {  	s10 =	sld [smem:$0x3FB6];
	_ =	sdelay $0x3  }
0x33: {  	p0 =	seq.s32 s10, $0x1;
	s10 =	sld [smem:$0x3FB8];
	_ =	sdelay $0x3  }
0x34: {  	[smem:$0x3FB8] =	sst s10  }
0x35: {  	s10 =	sld [smem:$0x3FB7];
	_ =	sdelay $0x3  }
0x36: {  	p1 =	seq.s32 s10, $0x1;
	s10 =	sld [smem:$0x3FB8];
	_ =	sdelay $0x3  }
0x37: {  	[smem:$0x3FB8] =	sst s10  }
0x38: {  	s10 =	sld [smem:$0x3FB9]  }
0x39: {  	_ = 	snop;
	(pc) =	sbr.ind lr, $3  }
0x3a: {  	_ = 	snop  }
0x3b: {  	_ = 	snop  }
0x3c: {  	p2 =	seq.s32 s10, $0x1;
	s10 =	sld [smem:$0x3FB8]  }
0x3d: {  	_ =	shalt  }
0x3e: {  	_ =	shalt  }
0x3f: {  	_ =	shalt  }
0x40: {  	_ =	shalt  }
0x41: {  	_ =	shalt  }
0x42: {  	_ =	shalt  }
0x43: {  	_ =	shalt  }
0x44: {  	_ =	shalt  }
0x45: {  	_ =	shalt  }
0x46: {  	_ =	shalt  }
0x47: {  	_ =	shalt  }
0x48: {  	_ =	shalt  }
0x49: {  	_ =	shalt  }
0x4a: {  	_ =	shalt  }
0x4b: {  	_ =	shalt  }
0x4c: {  	_ =	shalt  }
0x4d: {  	_ =	shalt  }
0x4e: {  	_ =	shalt  }
0x4f: {  	_ =	shalt  }
0x50: {  	_ =	shalt  }
0x51: {  	_ =	shalt  }
0x52: {  	_ =	shalt  }
0x53: {  	_ =	shalt  }
0x54: {  	_ =	shalt  }
0x55: {  	_ =	shalt  }
0x56: {  	_ =	shalt  }
0x57: {  	_ =	shalt  }
0x58: {  	_ =	shalt  }
0x59: {  	_ =	shalt  }
0x5a: {  	_ =	shalt  }
0x5b: {  	_ =	shalt  }
0x5c: {  	_ =	shalt  }
0x5d: {  	_ =	shalt  }
0x5e: {  	_ =	shalt  }
0x5f: {  	_ =	shalt  }
0x60: {  	_ =	shalt  }
0x61: {  	_ =	shalt  }
0x62: {  	_ =	shalt  }
0x63: {  	_ =	shalt  }
0x64: {  	_ =	shalt  }
0x65: {  	_ =	shalt  }
0x66: {  	_ =	shalt  }
0x67: {  	_ =	shalt  }
0x68: {  	_ =	shalt  }
0x69: {  	_ =	shalt  }
0x6a: {  	_ =	shalt  }
0x6b: {  	_ =	shalt  }
0x6c: {  	_ =	shalt  }
0x6d: {  	_ =	shalt  }
0x6e: {  	_ =	shalt  }
0x6f: {  	_ =	shalt  }
0x70: {  	_ =	shalt  }
0x71: {  	_ =	shalt  }
0x72: {  	_ =	shalt  }
0x73: {  	_ =	shalt  }
0x74: {  	_ =	shalt  }
0x75: {  	_ =	shalt  }
0x76: {  	_ =	shalt  }
0x77: {  	_ =	shalt  }
0x78: {  	_ =	shalt  }
0x79: {  	_ =	shalt  }
0x7a: {  	_ =	shalt  }
0x7b: {  	_ =	shalt  }
0x7c: {  	_ =	shalt  }
0x7d: {  	_ =	shalt  }
0x7e: {  	_ =	shalt  }
0x7f: {  	_ =	shalt  }
0x80: {  	_ =	shalt  }
0x81: {  	_ =	shalt  }
0x82: {  	_ =	shalt  }
0x83: {  	_ =	shalt  }
0x84: {  	_ =	shalt  }
0x85: {  	_ =	shalt  }
0x86: {  	_ =	shalt  }
0x87: {  	_ =	shalt  }
.Lfunc_end0:
.L_simem_size_0:
called_computation_lowered:
.L_overlay_start_0:
0x88: {  	s2 =	sld [smem:$0x3FD9]  }
0x89: {  	s3 =	sld [smem:$0x3FFE];
	_ =	sdelay $0x1  }
0x8a: {  	s1 =	srdreg.scid  }
0x8b: {  	s0 =	sand.u32 $0x1, s1  }
0x8c: {  	s17 =	sshll.u32 s0, $0xA;
	s2 =	sadd.s32 s3, s2  }
0x8d: {  	s2 =	sadd.s32 s2, s17  }
0x8e: {  	[smem:$0x3FC4] =	sst s2  }
0x8f: {  	_ = 	snop  }
0x90: {  	s2 =	sld [smem:$0x3FD0];
	(tm) =	ssettm $0x1  }
0x91: {  	s18 =	sld [smem:$0x3FFB];
	_ =	sdelay $0x3  }
0x92: {  	_ =	strace s18  }
0x93: {  	s3 =	sld [smem:$0x3FFC];
	_ =	sdelay $0x3  }
0x94: {  	_ =	strace s3  }
0x95: {  	s3 =	sld [smem:$0x3FFD];
	_ =	sdelay $0x3  }
0x96: {  	_ =	strace s3  }
0x97: {  	_ =	strace $0x8FFFFFFF  }
0x98: {  	s19 =	sld [smem:$0x3FDB];
	_ =	sdelay $0x1  }
0x99: {  	s4 =	simm.s32 $_scs_section_size  }
0x9a: {  	s5 =	simm.s32 $_size__tile_overlayer_lowered;
	s6 =	simm.s32 $_tile_overlayer_lowered  }
0x9b: {  	s22 =	simm.s32 $0x1BFF;
	s21 =	sshll.u32 s6, $0x1;
	s3 =	sadd.s32 s4, s19  }
0x9c: {  	s7 =	simm.s32 $0x0;
	s20 =	sshll.u32 s5, $0x1;
	s5 =	sadd.s32 s21, s3  }
0x9d: {  	[timem:s7], [sflag:s22] =	dma.local [hbm:s5], s20  }
0x9e: {  	_ =	swait.ge [sflag:s22], s20  }
0x9f: {  	s4 =	ssub.s32 $0x0, s20;
	[sflag:s22] =	ssyncset.done $0x0  }
0xa0: {  	[sflag:s22] =	ssyncadd.s32 s4;
	_ =	sdelay $0x1  }
0xa1: {  	s23 =	simm.s32 $0x1B8B  }
0xa2: {  	_ =	swait.ge [sflag:s23], $0x1  }
0xa3: {  	[sflag:s23] =	ssyncset.done $0x0  }
0xa4: {  	s25 =	simm.s32 $0x1B8E;
	s24 =	sld [smem:$0x3FFE];
	[sflag:s23] =	ssyncadd.s32 $0xFFFFFFFF  }
0xa5: {  	s26 =	simm.s32 $execute0_lowered;
	[smem:$0x3FD2] =	sst s25  }
0xa6: {  	s5 =	sshll.u32 s26, $0x1;
	_ =	strace $0x80000046;
	[dreg:$0x1] =	wrdreg $0xFFFFFFFF  }
0xa7: {  	s28 =	simm.s32 $_size_execute0_lowered;
	s3 =	sadd.s32 s3, s5;
	[dreg:$0x0] =	wrdreg $0x0  }
0xa8: {  	s5 =	sshll.u32 s28, $0x1;
	[dreg:$0x2] =	wrdreg s3  }
0xa9: {  	[dreg:$0x3] =	wrdreg s5  }
0xaa: {  	[dreg:$0x4] =	wrdreg $0xC0  }
0xab: {  	_ =	task [dreg:s7], $0x5FFFF  }
0xac: {  	[dreg:$0x1] =	wrdreg $0xFFFFFFFF  }
0xad: {  	[dreg:$0x0] =	wrdreg $0x60  }
0xae: {  	[dreg:$0x2] =	wrdreg s24  }
0xaf: {  	[dreg:$0x3] =	wrdreg s2  }
0xb0: {  	[dreg:$0x4] =	wrdreg $0x130800  }
0xb1: {  	[dreg:$0x5] =	wrdreg $0x9  }
0xb2: {  	_ =	task.clear_ibuf [dreg:s7], $0x6FFFF;
	_ =	strace $0x90000046  }
0xb3: {  	s29 =	simm.s32 $0x9;
	_ =	strace $0x80000048  }
0xb4: {  	_ =	swait.ge [sflag:s29], $0x1  }
0xb5: {  	[sflag:s29] =	ssyncadd.s32 $0xFFFFFFFF  }
0xb6: {  	_ =	strace $0x90000048  }
0xb7: {  	_ =	sfence  }
0xb8: {  	s30 =	sld [smem:$0x0];
	_ =	sdelay $0x2  }
0xb9: {  	s31 =	sshll.u32 s1, $0xD;
	s1 =	sshrl.u32 s1, $0x2  }
0xba: {  	s3 =	sand.u32 $0x4000, s31;
	s1 =	sadd.s32 s1, s30  }
0xbb: {  	s0 =	sor.u32 s3, s0;
	s1 =	sshll.u32 s1, $0x11  }
0xbc: {  	s0 =	sor.u32 s1, s0  }
0xbd: {  	s0 =	sadd.s32 $0x8F2B, s0  }
0xbe: {  	[sflag:s0] =	ssyncadd.remote.s32 $0x1  }
0xbf: {  	_ =	sfence.sel $0xFFFF  }
0xc0: {  	[dreg:$0x0] =	wrdreg $0xFFFFFFFF;
	(pc) =	sbr.abs _section_cstart, $3  }
0xc1: {  	[dreg:$0x1] =	wrdreg $0xFFFFFFFF  }
0xc2: {  	_ =	task.clear_ibuf [dreg:s7], $0x2FFFF;
	_ =	strace $0x9FFFFFFF  }
0xc3: {  	(tm) =	ssettm $0x7FFFFFFF  }
tec
execute0_lowered:
.L_overlay_start_1:
0x0: {  	(tag) =	ssettag $0x1  }
0x1: {  	s1 =	rddreg [dreg:$0x0]  }
0x2: {  	s0 =	rddreg [dreg:$0x1]  }
0x3: {  	s3 =	srdreg.scid;
	s4 =	stileid.u32  }
0x4: {  	s2 =	rddreg [dreg:$0x2];
	s15 =	simm.s32 $0x40;
	s21 =	simm.s32 $0x7080  }
0x5: {  	s28 =	simm.s32 $0xD080;
	s29 =	simm.s32 $0x3;
	s30 =	simm.s32 $0xF080  }
0x6: {  	s31 =	simm.s32 $0x4;
	s13 =	simm.s32 $0x5;
	s14 =	simm.s32 $0x9  }
0x7: {  	s16 =	simm.s32 $0x6;
	s18 =	simm.s32 $0xA;
	s20 =	simm.s32 $0x7  }
0x8: {  	s22 =	simm.s32 $0xB;
	s10 =	simm.s32 $0x0;
	s5 =	sand.u32 $0x1, s3  }
0x9: {  	s6 =	sshll.u32 s4, $0x1;
	s3 =	simm.s32 $0x0;
	s8 =	sadd.s32 $0x400, s1  }
0xa: {  	p0 =	sne.s32 s4, $0x0;
	s4 =	simm.s32 $0x8;
	s6 =	sor.u32 s5, s6  }
0xb: {  	[smem:$0x7FF] =	sst s3;
	s5 =	ssub.s32 $0x2, s5;
	s7 =	sshll.u32 s6, $0x8  }
0xc: {  	_ =	strace $0x80000047;
	[dreg:$0x4] =	wrdreg s8;
	s23 =	sshrl.u32 s5, $0x1  }
0xd: {  	s8 =	sshll.u32 s6, $0xD;
	s26 =	sshll.u32 s6, $0x11;
	s7 =	sadd.s32 s7, s1  }
0xe: {  	s1 =	sadd.s32 $0x4600, s1;
	s9 =	sadd.s32 s0, s26;
	s26 =	simm.s32 $0x2  }
.Ltmp0:
0xf: {  	[dreg:$0x5] =	wrdreg s1;
	s24 =	sadd.s32 $0x600, s7;
	(pc) =	sbr.rel .LBB2_1-.Ltmp0, $4  }
0x10: {  	s1 =	ssub.s32 s5, s23;
	s25 =	sadd.s32 $0x2600, s7;
	[dreg:$0x6] =	wrdreg s24  }
0x11: {  	v4 =	vlaneseq.u32;
	s5 =	simm.s32 $0xC;
	[dreg:$0x7] =	wrdreg s25;
	s1 =	smax.u32 s1, $0x1  }
0x12: {  	v0 =	vimm.s32 $0x1;
	v1 =	vimm.s32 $0x0;
	v3 =	vshrl.u32 v4, $0x3;
	s24 =	simm.s32 $0x1;
	[dreg:$0x8] =	wrdreg s1;
	s1 =	sshrl.u32 @!p0 s2, $0x3  }
0x13: {  	v2 =	vand.u32 $0x7, v4;
	v4 =	vor.u32 $0x8, v4;
	v3 =	vmul.u32 $0x8, v3;
	s25 =	simm.s32 $0xB080;
	[dreg:$0x9] =	wrdreg s1;
	s1 =	simm.s32 $0x11080  }
.LBB2_10:
0x14: {  	s6 =	simm.s32 $0xD  }
0x15: {  	_ =	swait.ge [sflag:s6], $0x2000  }
0x16: {  	[sflag:s6] =	ssyncset.done $0x0  }
0x17: {  	s17 =	simm.s32 $0xE;
	[sflag:s6] =	ssyncadd.s32 $0xFFFFE000  }
0x18: {  	_ =	swait.ge [sflag:s17], $0x2000  }
0x19: {  	[sflag:s17] =	ssyncset.done $0x0  }
0x1a: {  	s19 =	simm.s32 $0xF;
	[sflag:s17] =	ssyncadd.s32 $0xFFFFE000  }
0x1b: {  	_ =	swait.ge [sflag:s19], $0x2000  }
0x1c: {  	[sflag:s19] =	ssyncset.done $0x0  }
0x1d: {  	s7 =	simm.s32 $0x10;
	[sflag:s19] =	ssyncadd.s32 $0xFFFFE000  }
0x1e: {  	_ =	swait.ge [sflag:s7], $0x2000  }
0x1f: {  	s10 =	rddreg [dreg:$0xa]  }
0x20: {  	s23 =	rddreg [dreg:$0x8];
	s10 =	sadd.s32 $0x1, s10  }
0x21: {  	p1 =	sne.s32 s10, s23  }
.Ltmp1:
0x22: {  	_ = 	snop;
	(pc) =	sbr.rel @!p1 .LBB2_11-.Ltmp1, $3  }
0x23: {  	_ =	sdelay $0x1  }
0x24: {  	[sflag:s7] =	ssyncset.done $0x0  }
0x25: {  	[sflag:s7] =	ssyncadd.s32 $0xFFFFE000  }
.LBB2_1:
0x26: {  	[dreg:$0xa] =	wrdreg s10  }
0x27: {  	s7 =	rddreg [dreg:$0x5]  }
0x28: {  	s6 =	simm.s32 @!p0 $0x1C11;
	s10 =	rddreg [dreg:$0x9]  }
0x29: {  	[spmem:s10], [sflag:s6] =	dma.local @!p0 [hbm:s7], $0x10200  }
0x2a: {  	s23 =	simm.s32 $0x12;
	s6 =	rddreg [dreg:$0x6]  }
0x2b: {  	[tilespmem:s3], [sflag:$0x12] =	stream.linear.gather [hbm4b:s6+s3], $0x800, $0x38;
	[tilespmem:$0x1B180] =	vst v63  }
0x2c: {  	_ =	swait.ge [sflag:s23], $0x800  }
0x2d: {  	[sflag:s23] =	ssyncset.done $0x0  }
0x2e: {  	s12 =	simm.s32 $0x800;
	s11 =	rddreg [dreg:$0x7];
	[sflag:s23] =	ssyncadd.s32 $0xFFFFF800  }
0x2f: {  	[tilespmem:s12], [sflag:$0x12] =	stream.linear.gather [hbm4b:s11+s3], $0x800, $0x38;
	[tilespmem:$0x1B180] =	vst v63  }
0x30: {  	_ =	swait.ge [sflag:s23], $0x800  }
0x31: {  	[sflag:s23] =	ssyncset.done $0x0  }
0x32: {  	s19 =	simm.s32 $0x1000;
	s17 =	rddreg [dreg:$0x4];
	[sflag:s23] =	ssyncadd.s32 $0xFFFFF800  }
0x33: {  	[tilespmem:s19], [sflag:$0x12] =	stream.linear.gather [hbm4b:s17+s3], $0x80, $0x38;
	[tilespmem:$0x1B180] =	vst v63  }
0x34: {  	_ =	swait.ge [sflag:s23], $0x80  }
0x35: {  	[sflag:s23] =	ssyncset.done $0x0  }
0x36: {  	[sflag:s23] =	ssyncadd.s32 $0xFFFFFF80  }
0x37: {  	v5 =	vld [tilespmem:$0x1000];
	_ =	sdelay $0x4  }
0x38: {  	v6 =	vperm.xlane v5, v0  }
0x39: {  	v5 =	vperm.xlane v5, v1  }
0x3a: {  	(erf) = vrcp.f32 v6  }
0x3b: {  	(erf) = vrcp.f32 v5;
	_ =	sdelay $0x1  }
0x3c: {  	s23 =	simm.s32 $0x0  }
0x3d: {  	v6 =	vld [tilespmem:s23+$0x800];
	_ =	sdelay $0x1  }
0x3e: {  	v7 =	vld [tilespmem:s23+$0x0];
	_ =	sdelay $0x2  }
0x3f: {  	v8 =	vmul.f32 $1.024000000e+03, v6;
	v5 =	vpop (erf)  }
0x40: {  	v6 =	vpop (erf)  }
0x41: {  	v9 =	vmul.f32 $1.024000000e+03, v7;
	v8 =	vmul.f32 v8, v6;
	_ =	sdelay $0x1  }
0x42: {  	v9 =	vmul.f32 v9, v5;
	v8 =	vtrunc.f32 v8  }
0x43: {  	v8 =	vcvt.f32.s32 v8  }
0x44: {  	v9 =	vtrunc.f32 v9  }
0x45: {  	v9 =	vcvt.f32.s32 v9;
	vm0 =	vgt.s32 v8, $0x0  }
0x46: {  	v8 =	vnsel vm0, $0x0, v8  }
0x47: {  	vm14 =	vgt.s32 v9, $0x0;
	v8 =	vmin.u32 v8, $0x3FF  }
0x48: {  	vm15 =	vlt.f32 v7, $0.0e+00;
	v9 =	vnsel vm14, $0x0, v9;
	v7 =	vadd.s32 $0x408, v8  }
0x49: {  	v8 =	vmin.u32 v9, $0x3FF;
	v7 =	vsel vm15, $0x808, v7  }
0x4a: {  	v8 =	vsel vm15, $0x400, v8;
	v10 =	vperm.xlane v7, v2;
	v11 =	vperm.xlane v7, v4  }
0x4b: {  	v9 =	vperm.xlane v8, v2;
	v12 =	vperm.xlane v8, v4  }
0x4c: {  	v8 =	vshll.u32 v10, $0x1;
	v7 =	vand.u32 $0x7, v10;
	v10 =	vshll.u32 v11, $0x1  }
0x4d: {  	v14 =	vand.u32 $0x7, v11;
	v15 =	vshll.u32 v12, $0x1;
	v11 =	vand.u32 $0x7, v12  }
0x4e: {  	v8 =	vand.u32 $0xFFFFFFF0, v8;
	v13 =	vand.u32 $0xFFFFFFF0, v10;
	v10 =	vshll.u32 v9, $0x1  }
0x4f: {  	s7 =	simm.s32 $0x10A0;
	s10 =	simm.s32 $0x40;
	s6 =	simm.s32 $0x10A0;
	v12 =	vand.u32 $0xFFFFFFF0, v15;
	v10 =	vand.u32 $0xFFFFFFF0, v10;
	v13 =	vor.u32 v13, v14  }
.LBB2_2:
0x50: {  	p1 =	sne.s32 s10, $0xC0  }
0x51: {  	v9 =	vand.u32 $0x7, v9;
	v11 =	vor.u32 v12, v11;
	v12 =	vor.u32 v3, v13;
	s7 =	sadd.s32 $0x40, s7;
	s11 =	smov.u32 s10;
	s10 =	sadd.s32 $0x40, s10  }
0x52: {  	v7 =	vor.u32 v8, v7;
	v9 =	vor.u32 v10, v9;
	v8 =	vor.u32 v3, v11;
	[tilespmem:s6+$0x10] =	vst v12  }
0x53: {  	v7 =	vor.u32 v3, v7;
	v9 =	vor.u32 v3, v9;
	[tilespmem:s6+$0x0] =	vst v8  }
0x54: {  	[tilespmem:s6+$0xFFFFFFE0] =	vst v9  }
0x55: {  	s11 =	sshra.s32 s11, $0x2;
	[tilespmem:s6+$0xFFFFFFF0] =	vst v7;
	s6 =	smov.u32 s7  }
0x56: {  	v7 =	vld [tilespmem:s11+$0x800]  }
0x57: {  	v8 =	vld [tilespmem:s11+$0x0];
	_ =	sdelay $0x3  }
0x58: {  	v7 =	vmul.f32 $1.024000000e+03, v7  }
0x59: {  	v9 =	vmul.f32 $1.024000000e+03, v8  }
0x5a: {  	v7 =	vmul.f32 v7, v6  }
0x5b: {  	v9 =	vmul.f32 v9, v5  }
0x5c: {  	v7 =	vtrunc.f32 v7  }
0x5d: {  	v9 =	vtrunc.f32 v9;
	v7 =	vcvt.f32.s32 v7  }
0x5e: {  	v9 =	vcvt.f32.s32 v9  }
0x5f: {  	vm0 =	vgt.s32 v7, $0x0  }
0x60: {  	vm1 =	vgt.s32 v9, $0x0;
	v7 =	vnsel vm0, $0x0, v7  }
0x61: {  	v9 =	vnsel vm1, $0x0, v9;
	v7 =	vmin.u32 v7, $0x3FF  }
0x62: {  	vm0 =	vlt.f32 v8, $0.0e+00;
	v8 =	vmin.u32 v9, $0x3FF;
	v7 =	vadd.s32 $0x408, v7  }
0x63: {  	v8 =	vsel vm0, $0x400, v8;
	v7 =	vsel vm0, $0x808, v7  }
0x64: {  	v10 =	vperm.xlane v7, v2;
	v11 =	vperm.xlane v7, v4  }
.Ltmp2:
0x65: {  	v9 =	vperm.xlane v8, v2;
	v12 =	vperm.xlane v8, v4;
	(pc) =	sbr.rel @p1 .LBB2_2-.Ltmp2, $4  }
0x66: {  	v8 =	vshll.u32 v10, $0x1;
	v7 =	vand.u32 $0x7, v10;
	v10 =	vshll.u32 v11, $0x1  }
0x67: {  	v14 =	vand.u32 $0x7, v11;
	v8 =	vand.u32 $0xFFFFFFF0, v8;
	v13 =	vand.u32 $0xFFFFFFF0, v10  }
0x68: {  	v15 =	vshll.u32 v12, $0x1;
	v11 =	vand.u32 $0x7, v12;
	v10 =	vshll.u32 v9, $0x1  }
0x69: {  	v12 =	vand.u32 $0xFFFFFFF0, v15;
	v10 =	vand.u32 $0xFFFFFFF0, v10;
	v13 =	vor.u32 v13, v14  }
0x6a: {  	v11 =	vor.u32 v12, v11;
	v62 =	vor.u32 v3, v13  }
0x6b: {  	v9 =	vand.u32 $0x7, v9;
	v7 =	vor.u32 v8, v7;
	v63 =	vor.u32 v3, v11;
	[tilespmem:s6+$0x10] =	vst v62  }
0x6c: {  	v9 =	vor.u32 v10, v9;
	v7 =	vor.u32 v3, v7;
	[tilespmem:s6+$0x0] =	vst v63  }
0x6d: {  	v8 =	vor.u32 v3, v9;
	[tilespmem:s6+$0xFFFFFFF0] =	vst v7  }
0x6e: {  	[tilespmem:s6+$0xFFFFFFE0] =	vst v8;
	s6 =	simm.s32 @!p0 $0x11  }
0x6f: {  	_ =	swait.ge @!p0 [sflag:s6], $0x10200  }
0x70: {  	[sflag:s6] =	ssyncset.done @!p0 $0x0  }
0x71: {  	[sflag:s6] =	ssyncadd.s32 @!p0 $0xFFFEFE00  }
0x72: {  	s10 =	simm.s32 $0x1080;
	s7 =	simm.s32 $0x3080;
	[bflag:$0x0] =	sbarrier.arrive $0xFFFF  }
0x73: {  	[tilespmem:s7], [sflag:$0x1] =	stream.indirect.gather [spmem:s2], $0x80, s10, s15, $0xb8;
	[tilespmem:$0x1B180] =	vst v63  }
0x74: {  	s11 =	simm.s32 $0x10C0;
	s12 =	simm.s32 $0x5080  }
0x75: {  	[tilespmem:s12], [sflag:$0x2] =	stream.indirect.gather [spmem:s2], $0x80, s11, s15, $0xb8;
	[tilespmem:$0x1B180] =	vst v63  }
.Ltmp3:
0x76: {  	_ = 	snop;
	(pc) =	sbr.rel .LBB2_4-.Ltmp3, $4  }
0x77: {  	s17 =	simm.s32 $0x1100  }
0x78: {  	[tilespmem:s21], [sflag:$0x3] =	stream.indirect.gather [spmem:s2], $0x80, s17, s15, $0xb8;
	[tilespmem:$0x1B180] =	vst v63  }
0x79: {  	s19 =	simm.s32 $0x1140;
	s23 =	simm.s32 $0x9080;
	s10 =	simm.s32 $0x0  }
0x7a: {  	[tilespmem:s23], [sflag:$0x4] =	stream.indirect.gather [spmem:s2], $0x80, s19, s15, $0xb8;
	[tilespmem:$0x1B180] =	vst v63  }
.LBB2_5:
0x7b: {  	[tilespmem:s1], [sflag:$0x8] =	stream.indirect.gather [spmem:s2], $0x80, s23, s15, $0xb8;
	[tilespmem:$0x1B180] =	vst v63  }
0x7c: {  	s11 =	simm.s32 $0x1  }
.LBB2_8:
0x7d: {  	s23 =	sadd.s32 $0x8, s19  }
0x7e: {  	s17 =	sshll.u32 s23, $0x4  }
0x7f: {  	v7 =	vld [tilespmem:s17+$0x0]  }
0x80: {  	v8 =	vld [tilespmem:s17+$0x800];
	_ =	sdelay $0x4  }
0x81: {  	v9 =	vmul.f32 $1.024000000e+03, v7;
	v8 =	vmul.f32 $1.024000000e+03, v8;
	_ =	sdelay $0x1  }
0x82: {  	v9 =	vmul.f32 v9, v5;
	v8 =	vmul.f32 v8, v6;
	_ =	sdelay $0x1  }
0x83: {  	v9 =	vtrunc.f32 v9;
	v8 =	vtrunc.f32 v8  }
0x84: {  	v9 =	vcvt.f32.s32 v9;
	v8 =	vcvt.f32.s32 v8;
	_ =	sdelay $0x1  }
0x85: {  	vm0 =	vgt.s32 v9, $0x0;
	vm15 =	vgt.s32 v8, $0x0  }
0x86: {  	v9 =	vnsel vm0, $0x0, v9;
	v8 =	vnsel vm15, $0x0, v8  }
0x87: {  	vm1 =	vlt.f32 v7, $0.0e+00;
	v7 =	vmin.u32 v9, $0x3FF;
	v8 =	vmin.u32 v8, $0x3FF  }
0x88: {  	v7 =	vsel vm1, $0x400, v7;
	v8 =	vadd.s32 $0x408, v8  }
0x89: {  	v57 =	vperm.xlane v7, v2;
	v8 =	vsel vm1, $0x808, v8  }
0x8a: {  	v7 =	vperm.xlane v7, v4;
	v11 =	vperm.xlane v8, v2  }
0x8b: {  	v8 =	vperm.xlane v8, v4;
	v10 =	vshll.u32 v57, $0x1;
	v9 =	vand.u32 $0x7, v57  }
0x8c: {  	v59 =	vshll.u32 v7, $0x1;
	v7 =	vand.u32 $0x7, v7;
	v10 =	vand.u32 $0xFFFFFFF0, v10  }
0x8d: {  	v12 =	vshll.u32 v11, $0x1;
	v11 =	vand.u32 $0x7, v11;
	v60 =	vand.u32 $0xFFFFFFF0, v59  }
0x8e: {  	s23 =	sshll.u32 s23, $0x6;
	v61 =	vshll.u32 v8, $0x1;
	v8 =	vand.u32 $0x7, v8;
	v9 =	vor.u32 v10, v9  }
0x8f: {  	s17 =	sand.u32 $0x3FFFFFC0, s23;
	v58 =	vand.u32 $0xFFFFFFF0, v12;
	v7 =	vor.u32 v60, v7;
	v9 =	vor.u32 v3, v9  }
0x90: {  	v63 =	vand.u32 $0xFFFFFFF0, v61;
	v10 =	vor.u32 v58, v11;
	v7 =	vor.u32 v3, v7;
	[tilespmem:s17+$0x1080] =	vst v9  }
0x91: {  	v8 =	vor.u32 v63, v8;
	v62 =	vor.u32 v3, v10;
	[tilespmem:s17+$0x10A0] =	vst v7  }
0x92: {  	v7 =	vor.u32 v3, v8;
	[tilespmem:s17+$0x1090] =	vst v62  }
0x93: {  	p1 =	por $0x0, $0x0;
	[tilespmem:s17+$0x10B0] =	vst v7  }
.LBB2_9:
0x94: {  	s17 =	sor.u32 $0x100, s7  }
0x95: {  	_ =	swait.ge [sflag:s13], $0x2000;
	s17 =	sor.u32 s8, s17  }
0x96: {  	[sflag:s13] =	ssyncset.done $0x0;
	s17 =	sshll.u32 s17, $0x4  }
0x97: {  	[sflag:s13] =	ssyncadd.s32 $0xFFFFE000;
	s17 =	sadd.s32 s0, s17  }
0x98: {  	[hbm4b:s17+s3] =	stream.linear.scatter [tilespmem:s25], [sflag:$0xD], $0x2000, $0x38;
	[tilespmem:$0x1B180] =	vst v63  }
0x99: {  	_ =	swait.ge [sflag:s14], $0x2000  }
0x9a: {  	s17 =	sand.u32 @!p1 $0x3FFFFE00, s7;
	[sflag:s14] =	ssyncset.done $0x0  }
0x9b: {  	s23 =	simm.s32 @!p1 $0x3080;
	s17 =	sadd.s32 @!p1 $0x1280, s17;
	[sflag:s14] =	ssyncadd.s32 $0xFFFFE000  }
0x9c: {  	[tilespmem:s23], [sflag:$0x1] =	stream.indirect.gather @!p1 [spmem:s2], $0x80, s17, s15, $0xb8;
	[tilespmem:$0x1B180] =	vst v63  }
0x9d: {  	s17 =	sadd.s32 @!p1 $0x9, s19  }
0x9e: {  	s23 =	sshll.u32 @!p1 s17, $0x4  }
0x9f: {  	v7 =	vld @!p1 [tilespmem:s23+$0x0]  }
0xa0: {  	v8 =	vld @!p1 [tilespmem:s23+$0x800];
	_ =	sdelay $0x3  }
0xa1: {  	v9 =	vmul.f32 @!p1 $1.024000000e+03, v7  }
0xa2: {  	v8 =	vmul.f32 @!p1 $1.024000000e+03, v8  }
0xa3: {  	v9 =	vmul.f32 @!p1 v9, v5  }
0xa4: {  	v8 =	vmul.f32 @!p1 v8, v6  }
0xa5: {  	v9 =	vtrunc.f32 @!p1 v9  }
0xa6: {  	v8 =	vtrunc.f32 @!p1 v8;
	v9 =	vcvt.f32.s32 @!p1 v9  }
0xa7: {  	v8 =	vcvt.f32.s32 @!p1 v8  }
0xa8: {  	vm0 =	vgt.s32 @!p1 v9, $0x0  }
0xa9: {  	v9 =	vnsel @!p1 vm0, $0x0, v9;
	vm0 =	vgt.s32 @!p1 v8, $0x0  }
0xaa: {  	vm1 =	vlt.f32 @!p1 v7, $0.0e+00;
	v7 =	vmin.u32 @!p1 v9, $0x3FF;
	v8 =	vnsel @!p1 vm0, $0x0, v8  }
0xab: {  	v8 =	vmin.u32 @!p1 v8, $0x3FF;
	v7 =	vsel @!p1 vm1, $0x400, v7  }
0xac: {  	v8 =	vadd.s32 @!p1 $0x408, v8;
	v9 =	vperm.xlane @!p1 v7, v2  }
0xad: {  	v8 =	vsel @!p1 vm1, $0x808, v8  }
0xae: {  	v10 =	vshll.u32 @!p1 v9, $0x1;
	v11 =	vperm.xlane @!p1 v8, v2  }
0xaf: {  	v7 =	vperm.xlane @!p1 v7, v4;
	v9 =	vand.u32 @!p1 $0x7, v9;
	v10 =	vand.u32 @!p1 $0xFFFFFFF0, v10  }
0xb0: {  	v8 =	vperm.xlane @!p1 v8, v4;
	v12 =	vshll.u32 @!p1 v11, $0x1;
	v9 =	vor.u32 @!p1 v10, v9  }
0xb1: {  	v11 =	vand.u32 @!p1 $0x7, v11;
	v10 =	vand.u32 @!p1 $0xFFFFFFF0, v12;
	v12 =	vshll.u32 @!p1 v7, $0x1  }
0xb2: {  	v7 =	vand.u32 @!p1 $0x7, v7;
	v10 =	vor.u32 @!p1 v10, v11;
	v11 =	vand.u32 @!p1 $0xFFFFFFF0, v12  }
0xb3: {  	s17 =	sshll.u32 @!p1 s17, $0x6;
	v9 =	vor.u32 @!p1 v3, v9;
	v7 =	vor.u32 @!p1 v11, v7;
	v11 =	vshll.u32 @!p1 v8, $0x1  }
0xb4: {  	s23 =	sor.u32 @!p1 $0x50, s17;
	[tilespmem:s17+$0x1080] =	vst @!p1 v9;
	v9 =	vor.u32 @!p1 v3, v10;
	v8 =	vand.u32 @!p1 $0x7, v8;
	v10 =	vand.u32 @!p1 $0xFFFFFFF0, v11  }
0xb5: {  	[tilespmem:s23+$0x1080] =	vst @!p1 v9;
	v7 =	vor.u32 @!p1 v3, v7;
	s23 =	sor.u32 @!p1 $0x60, s17;
	v8 =	vor.u32 @!p1 v10, v8  }
0xb6: {  	s17 =	sor.u32 @!p1 $0x70, s17;
	[tilespmem:s23+$0x1080] =	vst @!p1 v7;
	v7 =	vor.u32 @!p1 v3, v8  }
0xb7: {  	[tilespmem:s17+$0x1080] =	vst @!p1 v7  }
0xb8: {  	s6 =	sor.u32 s8, s6;
	_ =	swait.ge [sflag:s16], $0x2000  }
0xb9: {  	s6 =	sshll.u32 s6, $0x4;
	[sflag:s16] =	ssyncset.done $0x0  }
0xba: {  	s6 =	sadd.s32 s0, s6;
	[sflag:s16] =	ssyncadd.s32 $0xFFFFE000  }
0xbb: {  	[hbm4b:s6+s3] =	stream.linear.scatter [tilespmem:s28], [sflag:$0xE], $0x2000, $0x38;
	[tilespmem:$0x1B180] =	vst v63  }
0xbc: {  	s6 =	sshll.u32 @!p1 s10, $0x9;
	_ =	swait.ge [sflag:s18], $0x2000  }
0xbd: {  	s23 =	simm.s32 @!p1 $0x5080;
	s6 =	sand.u32 @!p1 $0x3FFFFE00, s6;
	[sflag:s18] =	ssyncset.done $0x0  }
0xbe: {  	s10 =	simm.s32 @!p1 $0x40;
	s17 =	sadd.s32 @!p1 $0x12C0, s6;
	[sflag:s18] =	ssyncadd.s32 $0xFFFFE000  }
0xbf: {  	[tilespmem:s23], [sflag:$0x2] =	stream.indirect.gather @!p1 [spmem:s2], $0x80, s17, s10, $0xb8;
	[tilespmem:$0x1B180] =	vst v63  }
0xc0: {  	s17 =	sadd.s32 @!p1 $0xA, s19  }
0xc1: {  	s23 =	sshll.u32 @!p1 s17, $0x4  }
0xc2: {  	v7 =	vld @!p1 [tilespmem:s23+$0x0]  }
0xc3: {  	v8 =	vld @!p1 [tilespmem:s23+$0x800];
	_ =	sdelay $0x3  }
0xc4: {  	v9 =	vmul.f32 @!p1 $1.024000000e+03, v7  }
0xc5: {  	v8 =	vmul.f32 @!p1 $1.024000000e+03, v8  }
0xc6: {  	v9 =	vmul.f32 @!p1 v9, v5  }
0xc7: {  	v8 =	vmul.f32 @!p1 v8, v6  }
0xc8: {  	v9 =	vtrunc.f32 @!p1 v9  }
0xc9: {  	v8 =	vtrunc.f32 @!p1 v8;
	v9 =	vcvt.f32.s32 @!p1 v9  }
0xca: {  	v8 =	vcvt.f32.s32 @!p1 v8  }
0xcb: {  	vm0 =	vgt.s32 @!p1 v9, $0x0  }
0xcc: {  	vm1 =	vlt.f32 @!p1 v7, $0.0e+00;
	v7 =	vnsel @!p1 vm0, $0x0, v9;
	vm0 =	vgt.s32 @!p1 v8, $0x0  }
0xcd: {  	v9 =	vlaneseq.u32 @!p1;
	v8 =	vnsel @!p1 vm0, $0x0, v8  }
0xce: {  	v7 =	vmin.u32 @!p1 v7, $0x3FF;
	v10 =	vand.u32 @!p1 $0x7, v9;
	v8 =	vmin.u32 @!p1 v8, $0x3FF  }
0xcf: {  	v13 =	vshrl.u32 @!p1 v9, $0x3;
	v7 =	vsel @!p1 vm1, $0x400, v7;
	v8 =	vadd.s32 @!p1 $0x408, v8  }
0xd0: {  	v9 =	vor.u32 @!p1 $0x8, v9;
	v11 =	vperm.xlane @!p1 v7, v10;
	v8 =	vsel @!p1 vm1, $0x808, v8  }
0xd1: {  	v13 =	vmul.u32 @!p1 $0x8, v13;
	v7 =	vperm.xlane @!p1 v7, v9;
	v10 =	vperm.xlane @!p1 v8, v10  }
0xd2: {  	v12 =	vshll.u32 @!p1 v11, $0x1;
	v11 =	vand.u32 @!p1 $0x7, v11;
	v8 =	vperm.xlane @!p1 v8, v9  }
0xd3: {  	v12 =	vand.u32 @!p1 $0xFFFFFFF0, v12;
	v14 =	vshll.u32 @!p1 v10, $0x1;
	v10 =	vand.u32 @!p1 $0x7, v10  }
0xd4: {  	v11 =	vor.u32 @!p1 v12, v11;
	v12 =	vshll.u32 @!p1 v8, $0x1;
	v8 =	vand.u32 @!p1 $0x7, v8  }
0xd5: {  	s17 =	sshll.u32 @!p1 s17, $0x6;
	v14 =	vand.u32 @!p1 $0xFFFFFFF0, v14;
	v9 =	vor.u32 @!p1 v13, v11;
	v11 =	vshll.u32 @!p1 v7, $0x1  }
0xd6: {  	s17 =	sand.u32 @!p1 $0x3FFFFFC0, s17;
	v7 =	vand.u32 @!p1 $0x7, v7;
	v10 =	vor.u32 @!p1 v14, v10;
	v11 =	vand.u32 @!p1 $0xFFFFFFF0, v11  }
0xd7: {  	[tilespmem:s17+$0x1080] =	vst @!p1 v9;
	v9 =	vand.u32 @!p1 $0xFFFFFFF0, v12;
	v10 =	vor.u32 @!p1 v13, v10;
	v7 =	vor.u32 @!p1 v11, v7  }
0xd8: {  	v8 =	vor.u32 @!p1 v9, v8;
	[tilespmem:s17+$0x1090] =	vst @!p1 v10;
	v7 =	vor.u32 @!p1 v13, v7  }
0xd9: {  	[tilespmem:s17+$0x10A0] =	vst @!p1 v7;
	v7 =	vor.u32 @!p1 v13, v8  }
0xda: {  	s23 =	sor.u32 $0x180, s7;
	[tilespmem:s17+$0x10B0] =	vst @!p1 v7  }
0xdb: {  	s23 =	sor.u32 s8, s23;
	_ =	swait.ge [sflag:s20], $0x2000  }
0xdc: {  	s17 =	sshll.u32 s23, $0x4;
	[sflag:s20] =	ssyncset.done $0x0  }
0xdd: {  	s17 =	sadd.s32 s0, s17;
	[sflag:s20] =	ssyncadd.s32 $0xFFFFE000  }
0xde: {  	[hbm4b:s17+s3] =	stream.linear.scatter [tilespmem:s30], [sflag:$0xF], $0x2000, $0x38;
	[tilespmem:$0x1B180] =	vst v63  }
0xdf: {  	_ =	swait.ge [sflag:s22], $0x2000  }
0xe0: {  	s7 =	sand.u32 @!p1 $0x3FFFFE00, s7;
	[sflag:s22] =	ssyncset.done $0x0  }
0xe1: {  	s7 =	sadd.s32 @!p1 $0x1300, s7;
	[sflag:s22] =	ssyncadd.s32 $0xFFFFE000  }
0xe2: {  	[tilespmem:s21], [sflag:$0x3] =	stream.indirect.gather @!p1 [spmem:s2], $0x80, s7, s15, $0xb8;
	[tilespmem:$0x1B180] =	vst v63  }
0xe3: {  	s7 =	sadd.s32 @!p1 $0xB, s19  }
0xe4: {  	s17 =	sshll.u32 @!p1 s7, $0x4  }
0xe5: {  	v7 =	vld @!p1 [tilespmem:s17+$0x0]  }
0xe6: {  	v8 =	vld @!p1 [tilespmem:s17+$0x800];
	_ =	sdelay $0x3  }
0xe7: {  	v9 =	vmul.f32 @!p1 $1.024000000e+03, v7  }
0xe8: {  	v8 =	vmul.f32 @!p1 $1.024000000e+03, v8  }
0xe9: {  	v9 =	vmul.f32 @!p1 v9, v5  }
0xea: {  	v8 =	vmul.f32 @!p1 v8, v6  }
0xeb: {  	v9 =	vtrunc.f32 @!p1 v9  }
0xec: {  	v8 =	vtrunc.f32 @!p1 v8;
	v9 =	vcvt.f32.s32 @!p1 v9  }
0xed: {  	v8 =	vcvt.f32.s32 @!p1 v8  }
0xee: {  	vm0 =	vgt.s32 @!p1 v9, $0x0  }
0xef: {  	v9 =	vnsel @!p1 vm0, $0x0, v9;
	vm0 =	vgt.s32 @!p1 v8, $0x0  }
0xf0: {  	vm1 =	vlt.f32 @!p1 v7, $0.0e+00;
	v7 =	vmin.u32 @!p1 v9, $0x3FF;
	v8 =	vnsel @!p1 vm0, $0x0, v8  }
0xf1: {  	v8 =	vmin.u32 @!p1 v8, $0x3FF;
	v7 =	vsel @!p1 vm1, $0x400, v7  }
0xf2: {  	v8 =	vadd.s32 @!p1 $0x408, v8;
	v9 =	vperm.xlane @!p1 v7, v2  }
0xf3: {  	v8 =	vsel @!p1 vm1, $0x808, v8  }
0xf4: {  	v10 =	vshll.u32 @!p1 v9, $0x1;
	v11 =	vperm.xlane @!p1 v8, v2  }
0xf5: {  	v7 =	vperm.xlane @!p1 v7, v4;
	v9 =	vand.u32 @!p1 $0x7, v9;
	v10 =	vand.u32 @!p1 $0xFFFFFFF0, v10  }
0xf6: {  	v8 =	vperm.xlane @!p1 v8, v4;
	v12 =	vshll.u32 @!p1 v11, $0x1;
	v9 =	vor.u32 @!p1 v10, v9  }
0xf7: {  	v11 =	vand.u32 @!p1 $0x7, v11;
	v10 =	vand.u32 @!p1 $0xFFFFFFF0, v12;
	v12 =	vshll.u32 @!p1 v7, $0x1  }
0xf8: {  	v7 =	vand.u32 @!p1 $0x7, v7;
	v10 =	vor.u32 @!p1 v10, v11;
	v11 =	vand.u32 @!p1 $0xFFFFFFF0, v12  }
0xf9: {  	s7 =	sshll.u32 @!p1 s7, $0x6;
	v9 =	vor.u32 @!p1 v3, v9;
	v7 =	vor.u32 @!p1 v11, v7;
	v11 =	vshll.u32 @!p1 v8, $0x1  }
0xfa: {  	s17 =	sor.u32 @!p1 $0x50, s7;
	[tilespmem:s7+$0x1080] =	vst @!p1 v9;
	v9 =	vor.u32 @!p1 v3, v10;
	v8 =	vand.u32 @!p1 $0x7, v8;
	v10 =	vand.u32 @!p1 $0xFFFFFFF0, v11  }
0xfb: {  	[tilespmem:s17+$0x1080] =	vst @!p1 v9;
	v7 =	vor.u32 @!p1 v3, v7;
	s17 =	sor.u32 @!p1 $0x60, s7;
	v8 =	vor.u32 @!p1 v10, v8  }
0xfc: {  	s7 =	sor.u32 @!p1 $0x70, s7;
	[tilespmem:s17+$0x1080] =	vst @!p1 v7;
	v7 =	vor.u32 @!p1 v3, v8  }
0xfd: {  	[tilespmem:s7+$0x1080] =	vst @!p1 v7  }
0xfe: {  	s23 =	sor.u32 s8, s12;
	_ =	swait.ge [sflag:s4], $0x2000  }
0xff: {  	s7 =	sshll.u32 s23, $0x4;
	[sflag:s4] =	ssyncset.done $0x0  }
0x100: {  	s7 =	sadd.s32 s0, s7;
	[sflag:s4] =	ssyncadd.s32 $0xFFFFE000  }
0x101: {  	[hbm4b:s7+s3] =	stream.linear.scatter [tilespmem:s1], [sflag:$0x10], $0x2000, $0x38;
	[tilespmem:$0x1B180] =	vst v63  }
0x102: {  	_ =	swait.ge [sflag:s5], $0x2000  }
0x103: {  	[sflag:s5] =	ssyncset.done $0x0  }
0x104: {  	s6 =	sadd.s32 @!p1 $0x1340, s6;
	s7 =	simm.s32 @!p1 $0x9080;
	[sflag:s5] =	ssyncadd.s32 $0xFFFFE000  }
0x105: {  	[tilespmem:s7], [sflag:$0x4] =	stream.indirect.gather @!p1 [spmem:s2], $0x80, s6, s10, $0xb8;
	[tilespmem:$0x1B180] =	vst v63  }
0x106: {  	p1 =	slt.u32 s11, $0x10  }
.Ltmp4:
0x107: {  	_ = 	snop;
	(pc) =	sbr.rel @!p1 .LBB2_10-.Ltmp4, $2  }
0x108: {  	_ =	sdelay $0x2  }
0x109: {  	s10 =	smov.u32 s11  }
.LBB2_4:
0x10a: {  	s11 =	sshll.u32 s10, $0x7  }
0x10b: {  	v7 =	vld [tilespmem:s11+$0x40]  }
0x10c: {  	v8 =	vld [tilespmem:s11+$0x840];
	_ =	sdelay $0x4  }
0x10d: {  	v9 =	vmul.f32 $1.024000000e+03, v7;
	v8 =	vmul.f32 $1.024000000e+03, v8;
	_ =	sdelay $0x1  }
0x10e: {  	v9 =	vmul.f32 v9, v5;
	v8 =	vmul.f32 v8, v6;
	_ =	sdelay $0x1  }
0x10f: {  	v9 =	vtrunc.f32 v9;
	v8 =	vtrunc.f32 v8  }
0x110: {  	v9 =	vcvt.f32.s32 v9;
	v8 =	vcvt.f32.s32 v8;
	_ =	sdelay $0x1  }
0x111: {  	vm0 =	vgt.s32 v9, $0x0;
	vm1 =	vgt.s32 v8, $0x0  }
0x112: {  	v9 =	vnsel vm0, $0x0, v9;
	v8 =	vnsel vm1, $0x0, v8  }
0x113: {  	vm6 =	vlt.f32 v7, $0.0e+00;
	v7 =	vmin.u32 v9, $0x3FF;
	v8 =	vmin.u32 v8, $0x3FF  }
0x114: {  	v8 =	vadd.s32 $0x408, v8;
	v7 =	vsel vm6, $0x400, v7  }
0x115: {  	v8 =	vsel vm6, $0x808, v8;
	v33 =	vperm.xlane v7, v2  }
0x116: {  	v7 =	vperm.xlane v7, v4;
	v10 =	vperm.xlane v8, v2  }
0x117: {  	v8 =	vperm.xlane v8, v4;
	v11 =	vshll.u32 v33, $0x1;
	v9 =	vand.u32 $0x7, v33  }
0x118: {  	v34 =	vshll.u32 v7, $0x1;
	v7 =	vand.u32 $0x7, v7;
	v11 =	vand.u32 $0xFFFFFFF0, v11  }
0x119: {  	v12 =	vshll.u32 v10, $0x1;
	v10 =	vand.u32 $0x7, v10;
	v35 =	vshll.u32 v8, $0x1  }
0x11a: {  	v8 =	vand.u32 $0x7, v8;
	v12 =	vand.u32 $0xFFFFFFF0, v12;
	v9 =	vor.u32 v11, v9  }
0x11b: {  	s7 =	sshll.u32 s10, $0x9;
	v11 =	vand.u32 $0xFFFFFFF0, v34;
	v10 =	vor.u32 v12, v10;
	v9 =	vor.u32 v3, v9  }
0x11c: {  	v36 =	vand.u32 $0xFFFFFFF0, v35;
	v7 =	vor.u32 v11, v7;
	v10 =	vor.u32 v3, v10;
	[tilespmem:s7+$0x1180] =	vst v9  }
0x11d: {  	v8 =	vor.u32 v36, v8;
	v7 =	vor.u32 v3, v7;
	[tilespmem:s7+$0x1190] =	vst v10  }
0x11e: {  	[tilespmem:s7+$0x11A0] =	vst v7;
	v7 =	vor.u32 v3, v8  }
0x11f: {  	[tilespmem:s7+$0x11B0] =	vst v7  }
0x120: {  	_ =	swait.ge [sflag:s24], $0x2000  }
0x121: {  	s6 =	sshll.u32 s10, $0xD;
	s12 =	simm.s32 $0x3080;
	[sflag:s24] =	ssyncset.done $0x0  }
0x122: {  	p1 =	seq.s32 s10, $0x0;
	s6 =	sadd.s32 s6, s9;
	[sflag:s24] =	ssyncadd.s32 $0xFFFFE000  }
0x123: {  	[hbm4b:s6+s3] =	stream.linear.scatter [tilespmem:s12], [sflag:$0x9], $0x2000, $0x38;
	[tilespmem:$0x1B180] =	vst v63  }
0x124: {  	s6 =	simm.s32 @!p1 $0xD  }
0x125: {  	_ =	swait.ge @!p1 [sflag:s6], $0x2000  }
0x126: {  	[sflag:s6] =	ssyncset.done @!p1 $0x0  }
0x127: {  	s23 =	sadd.s32 $0x1180, s7;
	s17 =	sor.u32 $0x50, s11;
	[sflag:s6] =	ssyncadd.s32 @!p1 $0xFFFFE000  }
0x128: {  	[tilespmem:s25], [sflag:$0x5] =	stream.indirect.gather [spmem:s2], $0x80, s23, s15, $0xb8;
	[tilespmem:$0x1B180] =	vst v63  }
0x129: {  	v7 =	vld [tilespmem:s17+$0x0]  }
0x12a: {  	v8 =	vld [tilespmem:s11+$0x850];
	_ =	sdelay $0x4  }
0x12b: {  	v37 =	vmul.f32 $1.024000000e+03, v7;
	v8 =	vmul.f32 $1.024000000e+03, v8;
	_ =	sdelay $0x1  }
0x12c: {  	v9 =	vmul.f32 v37, v5;
	v8 =	vmul.f32 v8, v6;
	_ =	sdelay $0x1  }
0x12d: {  	v9 =	vtrunc.f32 v9;
	v8 =	vtrunc.f32 v8  }
0x12e: {  	v9 =	vcvt.f32.s32 v9;
	v8 =	vcvt.f32.s32 v8;
	_ =	sdelay $0x1  }
0x12f: {  	vm7 =	vgt.s32 v9, $0x0;
	vm8 =	vgt.s32 v8, $0x0  }
0x130: {  	v9 =	vnsel vm7, $0x0, v9;
	v8 =	vnsel vm8, $0x0, v8  }
0x131: {  	vm9 =	vlt.f32 v7, $0.0e+00;
	v7 =	vmin.u32 v9, $0x3FF;
	v8 =	vmin.u32 v8, $0x3FF  }
0x132: {  	v8 =	vadd.s32 $0x408, v8;
	v7 =	vsel vm9, $0x400, v7  }
0x133: {  	v8 =	vsel vm9, $0x808, v8;
	v38 =	vperm.xlane v7, v2  }
0x134: {  	v7 =	vperm.xlane v7, v4;
	v39 =	vperm.xlane v8, v2  }
0x135: {  	v8 =	vperm.xlane v8, v4;
	v40 =	vshll.u32 v38, $0x1;
	v9 =	vand.u32 $0x7, v38  }
0x136: {  	v42 =	vshll.u32 v7, $0x1;
	v7 =	vand.u32 $0x7, v7;
	v11 =	vand.u32 $0xFFFFFFF0, v40  }
0x137: {  	v41 =	vshll.u32 v39, $0x1;
	v10 =	vand.u32 $0x7, v39;
	v43 =	vshll.u32 v8, $0x1  }
0x138: {  	v8 =	vand.u32 $0x7, v8;
	v12 =	vand.u32 $0xFFFFFFF0, v41;
	v9 =	vor.u32 v11, v9  }
0x139: {  	v11 =	vand.u32 $0xFFFFFFF0, v42;
	v10 =	vor.u32 v12, v10;
	v9 =	vor.u32 v3, v9  }
0x13a: {  	v44 =	vand.u32 $0xFFFFFFF0, v43;
	v7 =	vor.u32 v11, v7;
	v10 =	vor.u32 v3, v10;
	[tilespmem:s7+$0x11C0] =	vst v9  }
0x13b: {  	v8 =	vor.u32 v44, v8;
	v7 =	vor.u32 v3, v7;
	[tilespmem:s7+$0x11D0] =	vst v10  }
0x13c: {  	[tilespmem:s7+$0x11E0] =	vst v7;
	v7 =	vor.u32 v3, v8  }
0x13d: {  	s19 =	sor.u32 s8, s7;
	[tilespmem:s7+$0x11F0] =	vst v7  }
0x13e: {  	s6 =	sshll.u32 s19, $0x4;
	_ =	swait.ge [sflag:s26], $0x2000  }
0x13f: {  	s19 =	simm.s32 @!p1 $0xE;
	s12 =	sadd.s32 s6, s0;
	[sflag:s26] =	ssyncset.done $0x0  }
0x140: {  	s6 =	sadd.s32 $0x400, s12;
	s17 =	simm.s32 $0x5080;
	[sflag:s26] =	ssyncadd.s32 $0xFFFFE000  }
0x141: {  	[hbm4b:s6+s3] =	stream.linear.scatter [tilespmem:s17], [sflag:$0xA], $0x2000, $0x38;
	[tilespmem:$0x1B180] =	vst v63  }
0x142: {  	_ =	swait.ge @!p1 [sflag:s19], $0x2000  }
0x143: {  	s6 =	sor.u32 $0x140, s7;
	[sflag:s19] =	ssyncset.done @!p1 $0x0  }
0x144: {  	s17 =	sor.u32 $0x60, s11;
	s23 =	sadd.s32 $0x1080, s6;
	[sflag:s19] =	ssyncadd.s32 @!p1 $0xFFFFE000  }
0x145: {  	[tilespmem:s28], [sflag:$0x6] =	stream.indirect.gather [spmem:s2], $0x80, s23, s15, $0xb8;
	[tilespmem:$0x1B180] =	vst v63  }
0x146: {  	v7 =	vld [tilespmem:s17+$0x0]  }
0x147: {  	v8 =	vld [tilespmem:s11+$0x860];
	_ =	sdelay $0x4  }
0x148: {  	v45 =	vmul.f32 $1.024000000e+03, v7;
	v8 =	vmul.f32 $1.024000000e+03, v8;
	_ =	sdelay $0x1  }
0x149: {  	v9 =	vmul.f32 v45, v5;
	v8 =	vmul.f32 v8, v6;
	_ =	sdelay $0x1  }
0x14a: {  	v9 =	vtrunc.f32 v9;
	v8 =	vtrunc.f32 v8  }
0x14b: {  	v9 =	vcvt.f32.s32 v9;
	v8 =	vcvt.f32.s32 v8;
	_ =	sdelay $0x1  }
0x14c: {  	vm10 =	vgt.s32 v9, $0x0;
	vm11 =	vgt.s32 v8, $0x0  }
0x14d: {  	v9 =	vnsel vm10, $0x0, v9;
	v8 =	vnsel vm11, $0x0, v8  }
0x14e: {  	vm12 =	vlt.f32 v7, $0.0e+00;
	v7 =	vmin.u32 v9, $0x3FF;
	v8 =	vmin.u32 v8, $0x3FF  }
0x14f: {  	v8 =	vadd.s32 $0x408, v8;
	v7 =	vsel vm12, $0x400, v7  }
0x150: {  	v8 =	vsel vm12, $0x808, v8;
	v46 =	vperm.xlane v7, v2  }
0x151: {  	v7 =	vperm.xlane v7, v4;
	v47 =	vperm.xlane v8, v2  }
0x152: {  	v8 =	vperm.xlane v8, v4;
	v48 =	vshll.u32 v46, $0x1;
	v9 =	vand.u32 $0x7, v46  }
0x153: {  	v50 =	vshll.u32 v7, $0x1;
	v7 =	vand.u32 $0x7, v7;
	v11 =	vand.u32 $0xFFFFFFF0, v48  }
0x154: {  	v49 =	vshll.u32 v47, $0x1;
	v10 =	vand.u32 $0x7, v47;
	v51 =	vshll.u32 v8, $0x1  }
0x155: {  	v8 =	vand.u32 $0x7, v8;
	v12 =	vand.u32 $0xFFFFFFF0, v49;
	v9 =	vor.u32 v11, v9  }
0x156: {  	v11 =	vand.u32 $0xFFFFFFF0, v50;
	v10 =	vor.u32 v12, v10;
	v9 =	vor.u32 v3, v9  }
0x157: {  	v52 =	vand.u32 $0xFFFFFFF0, v51;
	v7 =	vor.u32 v11, v7;
	v10 =	vor.u32 v3, v10;
	[tilespmem:s7+$0x1200] =	vst v9  }
0x158: {  	v8 =	vor.u32 v52, v8;
	v7 =	vor.u32 v3, v7;
	[tilespmem:s7+$0x1210] =	vst v10  }
0x159: {  	[tilespmem:s7+$0x1220] =	vst v7;
	v7 =	vor.u32 v3, v8  }
0x15a: {  	[tilespmem:s7+$0x1230] =	vst v7  }
0x15b: {  	_ =	swait.ge [sflag:s29], $0x2000  }
0x15c: {  	[sflag:s29] =	ssyncset.done $0x0  }
0x15d: {  	s19 =	simm.s32 @!p1 $0xF;
	s23 =	sadd.s32 $0x800, s12;
	[sflag:s29] =	ssyncadd.s32 $0xFFFFE000  }
0x15e: {  	[hbm4b:s23+s3] =	stream.linear.scatter [tilespmem:s21], [sflag:$0xB], $0x2000, $0x38;
	[tilespmem:$0x1B180] =	vst v63  }
0x15f: {  	_ =	swait.ge @!p1 [sflag:s19], $0x2000  }
0x160: {  	[sflag:s19] =	ssyncset.done @!p1 $0x0  }
0x161: {  	s17 =	sor.u32 $0x70, s11;
	s23 =	sadd.s32 $0x1200, s7;
	[sflag:s19] =	ssyncadd.s32 @!p1 $0xFFFFE000  }
0x162: {  	[tilespmem:s30], [sflag:$0x7] =	stream.indirect.gather [spmem:s2], $0x80, s23, s15, $0xb8;
	[tilespmem:$0x1B180] =	vst v63  }
0x163: {  	v7 =	vld [tilespmem:s17+$0x0]  }
0x164: {  	v8 =	vld [tilespmem:s11+$0x870];
	_ =	sdelay $0x4  }
0x165: {  	v53 =	vmul.f32 $1.024000000e+03, v7;
	v8 =	vmul.f32 $1.024000000e+03, v8;
	_ =	sdelay $0x1  }
0x166: {  	v9 =	vmul.f32 v53, v5;
	v8 =	vmul.f32 v8, v6;
	_ =	sdelay $0x1  }
0x167: {  	v9 =	vtrunc.f32 v9;
	v8 =	vtrunc.f32 v8  }
0x168: {  	v9 =	vcvt.f32.s32 v9;
	v8 =	vcvt.f32.s32 v8;
	_ =	sdelay $0x1  }
0x169: {  	vm13 =	vgt.s32 v9, $0x0;
	vm14 =	vgt.s32 v8, $0x0  }
0x16a: {  	v9 =	vnsel vm13, $0x0, v9;
	v8 =	vnsel vm14, $0x0, v8  }
0x16b: {  	vm15 =	vlt.f32 v7, $0.0e+00;
	v7 =	vmin.u32 v9, $0x3FF;
	v8 =	vmin.u32 v8, $0x3FF  }
0x16c: {  	v7 =	vsel vm15, $0x400, v7;
	v8 =	vadd.s32 $0x408, v8  }
0x16d: {  	v54 =	vperm.xlane v7, v2;
	v8 =	vsel vm15, $0x808, v8  }
0x16e: {  	v7 =	vperm.xlane v7, v4;
	v56 =	vperm.xlane v8, v2  }
0x16f: {  	v8 =	vperm.xlane v8, v4;
	v55 =	vshll.u32 v54, $0x1;
	v9 =	vand.u32 $0x7, v54  }
0x170: {  	v59 =	vshll.u32 v7, $0x1;
	v7 =	vand.u32 $0x7, v7;
	v10 =	vand.u32 $0xFFFFFFF0, v55  }
0x171: {  	v57 =	vshll.u32 v56, $0x1;
	v11 =	vand.u32 $0x7, v56;
	v60 =	vand.u32 $0xFFFFFFF0, v59  }
0x172: {  	v61 =	vshll.u32 v8, $0x1;
	v8 =	vand.u32 $0x7, v8;
	v9 =	vor.u32 v10, v9  }
0x173: {  	v58 =	vand.u32 $0xFFFFFFF0, v57;
	v7 =	vor.u32 v60, v7;
	v9 =	vor.u32 v3, v9  }
0x174: {  	v63 =	vand.u32 $0xFFFFFFF0, v61;
	v10 =	vor.u32 v58, v11;
	v7 =	vor.u32 v3, v7;
	[tilespmem:s7+$0x1240] =	vst v9  }
0x175: {  	v8 =	vor.u32 v63, v8;
	v62 =	vor.u32 v3, v10;
	[tilespmem:s7+$0x1260] =	vst v7  }
0x176: {  	v7 =	vor.u32 v3, v8;
	[tilespmem:s7+$0x1250] =	vst v62  }
0x177: {  	p1 =	sne.s32 s10, $0x0;
	[tilespmem:s7+$0x1270] =	vst v7  }
.Ltmp5:
0x178: {  	_ =	swait.ge [sflag:s31], $0x2000;
	(pc) =	sbr.rel @!p1 .LBB2_5-.Ltmp5, $4  }
0x179: {  	s19 =	sadd.s32 $0xC00, s12;
	[sflag:s31] =	ssyncset.done $0x0  }
0x17a: {  	s12 =	sor.u32 $0x1C0, s7;
	s23 =	simm.s32 $0x9080;
	[sflag:s31] =	ssyncadd.s32 $0xFFFFE000  }
0x17b: {  	[hbm4b:s19+s3] =	stream.linear.scatter [tilespmem:s23], [sflag:$0xC], $0x2000, $0x38;
	[tilespmem:$0x1B180] =	vst v63  }
0x17c: {  	s19 =	sshll.u32 s10, $0x3;
	s23 =	sadd.s32 $0x1080, s12  }
0x17d: {  	p2 =	seq.s32 s10, $0xF  }
.Ltmp6:
0x17e: {  	s11 =	simm.s32 $0x10;
	(pc) =	sbr.rel @p2 .LBB2_9-.Ltmp6, $4  }
0x17f: {  	_ =	swait.ge [sflag:s11], $0x2000  }
0x180: {  	[sflag:s11] =	ssyncset.done $0x0  }
0x181: {  	p1 =	por $0x1, $0x1;
	[sflag:s11] =	ssyncadd.s32 $0xFFFFE000  }
0x182: {  	[tilespmem:s1], [sflag:$0x8] =	stream.indirect.gather [spmem:s2], $0x80, s23, s15, $0xb8;
	[tilespmem:$0x1B180] =	vst v63  }
.Ltmp7:
0x183: {  	(pc) =	sbr.rel .LBB2_8-.Ltmp7, $2  }
0x184: {  	_ =	sdelay $0x2  }
0x185: {  	s11 =	sadd.s32 $0x1, s10  }
.LBB2_11:
0x186: {  	_ =	sfence.sel $0x180000  }
0x187: {  	[bflag:$0x0] =	sbarrier.arrive $0xFFFF  }
0x188: {  	_ =	strace $0x90000047  }
0x189: {  	[bflag:$0x2] =	sbarrier.arrive $0xFFFF  }
0x18a: {  	s0 =	rddreg [dreg:$0x3]  }
0x18b: {  	s0 =	sadd.s32 @!p0 $0x100000, s0  }
0x18c: {  	[sflag:s0] =	ssyncadd.tile.s32 @!p0 $0x1;
	_ =	shalt  }
.Lfunc_end2:
_tile_overlayer_lowered:
.L_overlay_start_2:
0x18d: {  	(tag) =	ssettag $0x2  }
0x18e: {  	s0 =	rddreg [dreg:$0x0];
	s2 =	stileid.u32  }
0x18f: {  	s1 =	rddreg [dreg:$0x1];
	p0 =	sne.s32 s2, $0x0  }
0x190: {  	s3 =	rddreg [dreg:$0x2];
	[bflag:$0x3] =	sbarrier.arrive $0xFFFF;
	s2 =	simm.s32 @!p0 $0x1C12  }
0x191: {  	[timem:s3], [sflag:s2] =	dma.local @!p0 [hbm:s0], s1  }
0x192: {  	s0 =	simm.s32 @!p0 $0x12  }
0x193: {  	_ =	swait.ge @!p0 [sflag:s0], s1  }
0x194: {  	s1 =	ssub.s32 @!p0 $0x0, s1;
	[sflag:s0] =	ssyncset.done @!p0 $0x0  }
0x195: {  	[sflag:s0] =	ssyncadd.s32 @!p0 s1  }
0x196: {  	[bflag:$0x3] =	sbarrier.arrive $0xFFFF  }
0x197: {  	_ =	shalt  }

</sc_bundles>
